<compile_context>
chip_gen: v7x
topology: tpu7x:2x2x1
jax: 0.10.2.dev20260603
libtpu: 0.0.44.dev20260713+nightly
codegen_flags: <defaults>
</compile_context>

<pallas_src>
import functools

import jax
import jax.numpy as jnp
from jax import lax
from jax.experimental import pallas as pl
from jax.experimental.pallas import tpu as pltpu
from jax.experimental.pallas import tpu_sc as plsc

B = 256
T = 196
D = 768
P = 8192
LP = 5
K = 4
TD = T * D
LD = LP * D
OD = (T + LP) * D
PB = 1024
NEG = float("-inf")


def _copy_keys_body(x_ref, out_ref, xn_ref):
    c = pl.program_id(0)
    blk = x_ref[...]
    out_ref[...] = blk

    @pl.when(c == 0)
    def _():
        xn_ref[...] = blk

    @pl.when(c > 0)
    def _():
        xn_ref[...] += blk

    @pl.when(c == T - 1)
    def _():
        m = xn_ref[...] * jnp.float32(1.0 / T)
        sq = jnp.sum(m * m, axis=1, keepdims=True)
        xn_ref[...] = m * lax.rsqrt(jnp.maximum(sq, 1e-12))


def _copy_and_keys(x2):
    return pl.pallas_call(
        _copy_keys_body,
        grid=(T,),
        in_specs=[pl.BlockSpec((B, D), lambda c: (0, c))],
        out_specs=[
            pl.BlockSpec((B, D), lambda c: (0, c + LP)),
            pl.BlockSpec((B, D), lambda c: (0, 0)),
        ],
        out_shape=[
            jax.ShapeDtypeStruct((B, OD), jnp.float32),
            jax.ShapeDtypeStruct((B, D), jnp.float32),
        ],
    )(x2)


def _top4(s, iota, gbase):
    vs, gs = [], []
    for _ in range(K):
        v = jnp.max(s, axis=1, keepdims=True)
        a = jnp.min(jnp.where(s == v, iota, jnp.int32(2 ** 30)),
                    axis=1, keepdims=True)
        vs.append(v)
        gs.append(a + gbase)
        s = jnp.where(iota == a, NEG, s)
    return jnp.concatenate(vs, axis=1), jnp.concatenate(gs, axis=1)


def _sim_topk_body(xn_ref, pk_ref, sim_ref, tv_ref, ti_ref, idx_ref,
                   rv_ref, ri_ref):
    j = pl.program_id(0)
    xn = xn_ref[...]
    pk = pk_ref[...]
    sq = jnp.sum(pk * pk, axis=1, keepdims=True)
    pkn = pk * lax.rsqrt(jnp.maximum(sq, 1e-12))
    s = lax.dot_general(xn, pkn, (((1,), (1,)), ((), ())),
                        preferred_element_type=jnp.float32)
    sim_ref[...] = s

    iota = lax.broadcasted_iota(jnp.int32, (B, PB), 1)
    bv, bi = _top4(s, iota, j * PB)

    @pl.when(j == 0)
    def _():
        rv_ref[...] = bv
        ri_ref[...] = bi

    @pl.when(j > 0)
    def _():
        cv = jnp.concatenate([rv_ref[...], bv], axis=1)
        ci = jnp.concatenate([ri_ref[...], bi], axis=1)
        iota8 = lax.broadcasted_iota(jnp.int32, (B, 2 * K), 1)
        nvs, nis = [], []
        for _ in range(K):
            v = jnp.max(cv, axis=1, keepdims=True)
            a = jnp.min(jnp.where(cv == v, iota8, jnp.int32(2 ** 30)),
                        axis=1, keepdims=True)
            pick = jnp.sum(jnp.where(iota8 == a, ci, 0), axis=1,
                           keepdims=True)
            nvs.append(v)
            nis.append(pick)
            cv = jnp.where(iota8 == a, NEG, cv)
        rv_ref[...] = jnp.concatenate(nvs, axis=1)
        ri_ref[...] = jnp.concatenate(nis, axis=1)

    @pl.when(j == P // PB - 1)
    def _():
        tv_ref[...] = rv_ref[...]
        ti_ref[...] = ri_ref[...]
        idx_ref[...] = ri_ref[:, 0:1]


def _sim_topk(xn, prompt_key):
    return pl.pallas_call(
        _sim_topk_body,
        grid=(P // PB,),
        in_specs=[
            pl.BlockSpec((B, D), lambda j: (0, 0)),
            pl.BlockSpec((PB, D), lambda j: (j, 0)),
        ],
        out_specs=[
            pl.BlockSpec((B, PB), lambda j: (0, j)),
            pl.BlockSpec((B, K), lambda j: (0, 0)),
            pl.BlockSpec((B, K), lambda j: (0, 0)),
            pl.BlockSpec((B, 1), lambda j: (0, 0)),
        ],
        out_shape=[
            jax.ShapeDtypeStruct((B, P), jnp.float32),
            jax.ShapeDtypeStruct((B, K), jnp.float32),
            jax.ShapeDtypeStruct((B, K), jnp.int32),
            jax.ShapeDtypeStruct((B, 1), jnp.int32),
        ],
        scratch_shapes=[
            pltpu.VMEM((B, K), jnp.float32),
            pltpu.VMEM((B, K), jnp.int32),
        ],
    )(xn, prompt_key)


def _gather_rows(p2, idx):
    info = plsc.get_sparse_core_info()
    nw = info.num_cores * info.num_subcores
    bpw = B // nw
    mesh = plsc.VectorSubcoreMesh(core_axis_name="c", subcore_axis_name="s")

    @functools.partial(
        pl.kernel,
        out_type=jax.ShapeDtypeStruct((B, LD), jnp.float32),
        mesh=mesh,
        scratch_types=[
            pltpu.VMEM((bpw,), jnp.int32),
            pltpu.VMEM((bpw, LD), jnp.float32),
            pltpu.SemaphoreType.DMA,
        ],
    )
    def gath(p_hbm, idx_hbm, out_hbm, idx_v, rows_v, sem):
        wid = lax.axis_index("s") * info.num_cores + lax.axis_index("c")
        base = wid * bpw
        pltpu.sync_copy(idx_hbm.at[pl.ds(base, bpw)], idx_v)
        pltpu.async_copy(p_hbm.at[idx_v], rows_v, sem).wait()
        pltpu.sync_copy(rows_v, out_hbm.at[pl.ds(base, bpw)])

    return gath(p2, idx)


def _insert_body(g_ref, big_ref, out_ref):
    del big_ref
    out_ref[...] = g_ref[...]


def _insert(g2, out2):
    return pl.pallas_call(
        _insert_body,
        grid=(LP,),
        in_specs=[
            pl.BlockSpec((B, D), lambda j: (0, j)),
            pl.BlockSpec(memory_space=pl.ANY),
        ],
        out_specs=pl.BlockSpec((B, D), lambda j: (0, j)),
        out_shape=jax.ShapeDtypeStruct((B, OD), jnp.float32),
        input_output_aliases={1: 0},
    )(g2, out2)


def kernel(x_embed, prompt, prompt_key):
    x2 = x_embed.reshape(B, TD)
    p2 = prompt.reshape(P, LD)
    out2, xn = _copy_and_keys(x2)
    sim, top_k_sim, top_k_idx, idxc = _sim_topk(xn, prompt_key)
    idx = idxc.reshape(B)
    g2 = _gather_rows(p2, idx)
    outf = _insert(g2, out2)
    return (sim, top_k_sim, top_k_idx, idx, outf.reshape(B, T + LP, D))

# --- scband reference (transcript-rebuilt; emitter-appended) ---
"""Pipeline reference for scband-prompt-36447092474476 (READ-ONLY COPY).

The authoritative reference and input builder live on the scoring server;
editing this copy changes nothing except your own understanding.
"""

import jax, jax.numpy as jnp
import numpy as np


def l2_normalize(x, axis):
    sq = jnp.sum(x ** 2, axis=axis, keepdims=True)
    return x * jax.lax.rsqrt(jnp.maximum(sq, 1e-12))


def setup_inputs(seed: int = 0):
    key = jax.random.key(seed)
    k1, k2, k3 = jax.random.split(key, 3)
    x_embed = jax.random.normal(k1, (256, 196, 768), dtype=jnp.float32)
    prompt = jax.random.uniform(k2, (8192, 5, 768), dtype=jnp.float32, minval=-1.0, maxval=1.0)
    prompt_key = jax.random.uniform(k3, (8192, 768), dtype=jnp.float32, minval=-1.0, maxval=1.0)
    return {"x_embed": x_embed, "prompt": prompt, "prompt_key": prompt_key}


def reference(x_embed, prompt, prompt_key):
    # embedding_key == 'mean'
    x_key = jnp.mean(x_embed, axis=1)
    # l2 normalize keys and queries
    prompt_norm = l2_normalize(prompt_key, axis=1)
    x_norm = l2_normalize(x_key, axis=1)
    # cosine similarity: [B, pool_size]
    sim = jnp.matmul(x_norm, prompt_norm.T)
    # top-k retrieval over the prompt pool
    top_k_sim, top_k_idx = jax.lax.top_k(sim, 4)
    idx = top_k_idx[:, 0]
    # gather selected prompts: [B, length, embed_dim]
    batched_prompt = jnp.take(prompt, idx, axis=0)
    prompted_embedding = jnp.concatenate([batched_prompt, x_embed], axis=1)
    return (sim, top_k_sim, top_k_idx, idx, prompted_embedding)

if __name__ == "__main__":
    import jax
    _d = setup_inputs()
    print(jax.jit(kernel)(*tuple(_d.values())))

</pallas_src>

<mosaic_0001>
#map = affine_map<(d0, d1) -> (0, 0)>
#map1 = affine_map<(d0, d1) -> (0)>
module attributes {stable_mosaic.version = 14 : i64} {
  func.func @gath(%arg0: i32, %arg1: i32, %arg2: memref<8192x3840xf32, #tpu.memory_space<hbm>>, %arg3: memref<256xi32, #tpu.memory_space<hbm>>, %arg4: memref<256x3840xf32, #tpu.memory_space<hbm>>, %arg5: memref<8xi32, #tpu.memory_space<vmem>>, %arg6: memref<8x3840xf32, #tpu.memory_space<vmem>>, %arg7: memref<!tpu.dma_semaphore, #tpu.memory_space<semaphore_mem>>) attributes {dimension_semantics = [#tpu.dimension_semantics<core_parallel>, #tpu.dimension_semantics<subcore_parallel>], iteration_bounds = array<i64: 2, 16>, scalar_prefetch = 0 : i64, scratch_operands = 3 : i64, tpu.core_type = #tpu.core_type<sc_vector_subcore>, window_params = [{transform_indices = #map}, {transform_indices = #map1}, {transform_indices = #map}]} {
    %mul3A = arith.constant 2 : i32
    %mul3A_0 = arith.muli %arg1, %mul3A : i32
    %add3A = arith.addi %mul3A_0, %arg0 : i32
    %mul3A_1 = arith.constant 8 : i32
    %mul3A_2 = arith.muli %add3A, %mul3A_1 : i32
    "tpu.region"() ({
      %run_scoped3A = tpu.sem_alloc : memref<!tpu.dma_semaphore, #tpu.memory_space<semaphore_mem>>
      %dma_start3A_7 = tpu.memref_slice %arg3[%mul3A_2] : memref<256xi32, #tpu.memory_space<hbm>> -> memref<8xi32, #tpu.memory_space<hbm>>
      %dma_start3A_8 = tpu.memref_slice %arg3[%mul3A_2] : memref<256xi32, #tpu.memory_space<hbm>> -> memref<8xi32, #tpu.memory_space<hbm>>
      tpu.enqueue_dma source(%dma_start3A_8 : memref<8xi32, #tpu.memory_space<hbm>>) target(%arg5 : memref<8xi32, #tpu.memory_space<vmem>>) target_semaphore(%run_scoped3A : memref<!tpu.dma_semaphore, #tpu.memory_space<semaphore_mem>>)
      %dma_wait3A_9 = tpu.memref_slice %arg3[%mul3A_2] : memref<256xi32, #tpu.memory_space<hbm>> -> memref<8xi32, #tpu.memory_space<hbm>>
      %dma_wait3A_10 = tpu.memref_slice %arg3[%mul3A_2] : memref<256xi32, #tpu.memory_space<hbm>> -> memref<8xi32, #tpu.memory_space<hbm>>
      tpu.wait_dma2 semaphore(%run_scoped3A : memref<!tpu.dma_semaphore, #tpu.memory_space<semaphore_mem>>) src(%dma_wait3A_10 : memref<8xi32, #tpu.memory_space<hbm>>) dst(%arg5 : memref<8xi32, #tpu.memory_space<vmem>>)
      tpu.yield
    }) : () -> ()
    %dma_start3A = arith.constant 0 : i32
    %dma_start3A_3 = arith.constant 0 : i32
    %dma_start3A_4 = tpu.memref_slice %arg2[%dma_start3A, %dma_start3A_3] : memref<8192x3840xf32, #tpu.memory_space<hbm>> -> memref<8192x3840xf32, #tpu.memory_space<hbm>>
    tpu.enqueue_indirect_dma source(%dma_start3A_4 : memref<8192x3840xf32, #tpu.memory_space<hbm>>) target(%arg6 : memref<8x3840xf32, #tpu.memory_space<vmem>>) offsets(%arg5 : memref<8xi32, #tpu.memory_space<vmem>>) semaphore(%arg7 : memref<!tpu.dma_semaphore, #tpu.memory_space<semaphore_mem>>)
    %dma_wait3A = arith.constant 0 : i32
    %dma_wait3A_5 = arith.constant 0 : i32
    %dma_wait3A_6 = tpu.memref_slice %arg2[%dma_wait3A, %dma_wait3A_5] : memref<8192x3840xf32, #tpu.memory_space<hbm>> -> memref<8192x3840xf32, #tpu.memory_space<hbm>>
    tpu.wait_indirect_dma semaphore(%arg7 : memref<!tpu.dma_semaphore, #tpu.memory_space<semaphore_mem>>) src(%dma_wait3A_6 : memref<8192x3840xf32, #tpu.memory_space<hbm>>) dst(%arg6 : memref<8x3840xf32, #tpu.memory_space<vmem>>)
    "tpu.region"() ({
      %run_scoped3A = tpu.sem_alloc : memref<!tpu.dma_semaphore, #tpu.memory_space<semaphore_mem>>
      %dma_start3A_7 = arith.constant 0 : i32
      %dma_start3A_8 = tpu.memref_slice %arg4[%mul3A_2, %dma_start3A_7] : memref<256x3840xf32, #tpu.memory_space<hbm>> -> memref<8x3840xf32, #tpu.memory_space<hbm>>
      %dma_start3A_9 = arith.constant 0 : i32
      %dma_start3A_10 = tpu.memref_slice %arg4[%mul3A_2, %dma_start3A_9] : memref<256x3840xf32, #tpu.memory_space<hbm>> -> memref<8x3840xf32, #tpu.memory_space<hbm>>
      tpu.enqueue_dma source(%arg6 : memref<8x3840xf32, #tpu.memory_space<vmem>>) target(%dma_start3A_10 : memref<8x3840xf32, #tpu.memory_space<hbm>>) target_semaphore(%run_scoped3A : memref<!tpu.dma_semaphore, #tpu.memory_space<semaphore_mem>>)
      %dma_wait3A_11 = arith.constant 0 : i32
      %dma_wait3A_12 = tpu.memref_slice %arg4[%mul3A_2, %dma_wait3A_11] : memref<256x3840xf32, #tpu.memory_space<hbm>> -> memref<8x3840xf32, #tpu.memory_space<hbm>>
      %dma_wait3A_13 = arith.constant 0 : i32
      %dma_wait3A_14 = tpu.memref_slice %arg4[%mul3A_2, %dma_wait3A_13] : memref<256x3840xf32, #tpu.memory_space<hbm>> -> memref<8x3840xf32, #tpu.memory_space<hbm>>
      tpu.wait_dma2 semaphore(%run_scoped3A : memref<!tpu.dma_semaphore, #tpu.memory_space<semaphore_mem>>) src(%arg6 : memref<8x3840xf32, #tpu.memory_space<vmem>>) dst(%dma_wait3A_14 : memref<8x3840xf32, #tpu.memory_space<hbm>>)
      tpu.yield
    }) : () -> ()
    return
  }
}

module attributes {stable_mosaic.version = 14 : i64} {
  func.func @_copy_keys_body(%arg0: i32, %arg1: memref<256x768xf32, #tpu.memory_space<vmem>>, %arg2: memref<256x768xf32, #tpu.memory_space<vmem>>, %arg3: memref<256x768xf32, #tpu.memory_space<vmem>>) attributes {dimension_semantics = [#tpu.dimension_semantics<arbitrary>], iteration_bounds = array<i64: 196>, scalar_prefetch = 0 : i64, scratch_operands = 0 : i64, tpu.core_type = #tpu.core_type<tc>, window_params = [{transform_indices = @transform_0, window_bounds = array<i64: 256, 768>}, {transform_indices = @transform_1, window_bounds = array<i64: 256, 768>}, {pipeline_mode = #tpu.pipeline_mode<synchronous>, transform_indices = @transform_2, window_bounds = array<i64: 256, 768>}]} {
    %get3A = arith.constant 0 : index
    %get3A_0 = arith.constant 0 : index
    %get3A_1 = vector.load %arg1[%get3A, %get3A_0] : memref<256x768xf32, #tpu.memory_space<vmem>>, vector<256x768xf32>
    %swap3A = arith.constant 0 : index
    %swap3A_2 = arith.constant 0 : index
    %swap3A_3 = vector.load %arg2[%swap3A, %swap3A_2] : memref<256x768xf32, #tpu.memory_space<vmem>>, vector<256x768xf32>
    tpu.vector_store %arg2[%swap3A, %swap3A_2], %get3A_1 {strides = array<i32>} : memref<256x768xf32, #tpu.memory_space<vmem>>, vector<256x768xf32>,
    %eq3A = arith.constant 0 : i32
    %eq3A_4 = arith.cmpi eq, %arg0, %eq3A : i32
    %convert_element_type3A = arith.extui %eq3A_4 : i1 to i32
    %cond3A = arith.constant 0 : i32
    %cond3A_5 = arith.cmpi ne, %convert_element_type3A, %cond3A : i32
    scf.if %cond3A_5 {
      %swap3A_15 = arith.constant 0 : index
      %swap3A_16 = arith.constant 0 : index
      %swap3A_17 = vector.load %arg3[%swap3A_15, %swap3A_16] : memref<256x768xf32, #tpu.memory_space<vmem>>, vector<256x768xf32>
      tpu.vector_store %arg3[%swap3A_15, %swap3A_16], %get3A_1 {strides = array<i32>} : memref<256x768xf32, #tpu.memory_space<vmem>>, vector<256x768xf32>,
    } else {
    }
    %gt3A = arith.constant 0 : i32
    %gt3A_6 = arith.cmpi sgt, %arg0, %gt3A : i32
    %convert_element_type3A_7 = arith.extui %gt3A_6 : i1 to i32
    %cond3A_8 = arith.constant 0 : i32
    %cond3A_9 = arith.cmpi ne, %convert_element_type3A_7, %cond3A_8 : i32
    scf.if %cond3A_9 {
      %get3A_15 = arith.constant 0 : index
      %get3A_16 = arith.constant 0 : index
      %get3A_17 = vector.load %arg3[%get3A_15, %get3A_16] : memref<256x768xf32, #tpu.memory_space<vmem>>, vector<256x768xf32>
      %add3A = arith.addf %get3A_17, %get3A_1 : vector<256x768xf32>
      %swap3A_18 = arith.constant 0 : index
      %swap3A_19 = arith.constant 0 : index
      %swap3A_20 = vector.load %arg3[%swap3A_18, %swap3A_19] : memref<256x768xf32, #tpu.memory_space<vmem>>, vector<256x768xf32>
      tpu.vector_store %arg3[%swap3A_18, %swap3A_19], %add3A {strides = array<i32>} : memref<256x768xf32, #tpu.memory_space<vmem>>, vector<256x768xf32>,
    } else {
    }
    %eq3A_10 = arith.constant 195 : i32
    %eq3A_11 = arith.cmpi eq, %arg0, %eq3A_10 : i32
    %convert_element_type3A_12 = arith.extui %eq3A_11 : i1 to i32
    %cond3A_13 = arith.constant 0 : i32
    %cond3A_14 = arith.cmpi ne, %convert_element_type3A_12, %cond3A_13 : i32
    scf.if %cond3A_14 {
      %get3A_15 = arith.constant 0 : index
      %get3A_16 = arith.constant 0 : index
      %get3A_17 = vector.load %arg3[%get3A_15, %get3A_16] : memref<256x768xf32, #tpu.memory_space<vmem>>, vector<256x768xf32>
      %mul3A = arith.constant 0.00510204071 : f32
      %mul3A_18 = vector.broadcast %mul3A : f32 to vector<256x768xf32>
      %mul3A_19 = arith.mulf %get3A_17, %mul3A_18 : vector<256x768xf32>
      %mul3A_20 = arith.mulf %mul3A_19, %mul3A_19 : vector<256x768xf32>
      %reduce_sum3A = arith.constant dense<0.000000e+00> : vector<256xf32>
      %reduce_sum3A_21 = vector.multi_reduction <add>, %mul3A_20, %reduce_sum3A [1] : vector<256x768xf32> to vector<256xf32>
      %broadcast_in_dim3A = vector.shape_cast %reduce_sum3A_21 : vector<256xf32> to vector<256x1xf32>
      %max3A = arith.constant 9.99999996E-13 : f32
      %max3A_22 = vector.broadcast %max3A : f32 to vector<256x1xf32>
      %max3A_23 = arith.maximumf %broadcast_in_dim3A, %max3A_22 : vector<256x1xf32>
      %rsqrt3A = math.rsqrt %max3A_23 : vector<256x1xf32>
      %mul3A_24 = vector.broadcast %rsqrt3A : vector<256x1xf32> to vector<256x768xf32>
      %mul3A_25 = arith.mulf %mul3A_19, %mul3A_24 : vector<256x768xf32>
      %swap3A_26 = arith.constant 0 : index
      %swap3A_27 = arith.constant 0 : index
      %swap3A_28 = vector.load %arg3[%swap3A_26, %swap3A_27] : memref<256x768xf32, #tpu.memory_space<vmem>>, vector<256x768xf32>
      tpu.vector_store %arg3[%swap3A_26, %swap3A_27], %mul3A_25 {strides = array<i32>} : memref<256x768xf32, #tpu.memory_space<vmem>>, vector<256x768xf32>,
    } else {
    }
    return
  }
  func.func @transform_0(%arg0: i32) -> (i32, i32) {
    %c0_i32 = arith.constant 0 : i32
    %c0_i32_0 = arith.constant 0 : i32
    return %c0_i32, %arg0 : i32, i32
  }
  func.func @transform_1(%arg0: i32) -> (i32, i32) {
    %add3A = arith.constant 5 : i32
    %add3A_0 = arith.addi %arg0, %add3A : i32
    %c0_i32 = arith.constant 0 : i32
    %c0_i32_1 = arith.constant 0 : i32
    return %c0_i32, %add3A_0 : i32, i32
  }
  func.func @transform_2(%arg0: i32) -> (i32, i32) {
    %c0_i32 = arith.constant 0 : i32
    %c0_i32_0 = arith.constant 0 : i32
    %c0_i32_1 = arith.constant 0 : i32
    return %c0_i32, %c0_i32_0 : i32, i32
  }
}

module attributes {stable_mosaic.version = 14 : i64} {
  func.func @_insert_body(%arg0: i32, %arg1: memref<256x768xf32, #tpu.memory_space<vmem>>, %arg2: memref<256x154368xf32, #tpu.memory_space<any>>, %arg3: memref<256x768xf32, #tpu.memory_space<vmem>>) attributes {dimension_semantics = [#tpu.dimension_semantics<arbitrary>], iteration_bounds = array<i64: 5>, scalar_prefetch = 0 : i64, scratch_operands = 0 : i64, tpu.core_type = #tpu.core_type<tc>, window_params = [{transform_indices = @transform_0, window_bounds = array<i64: 256, 768>}, {}, {transform_indices = @transform_2, window_bounds = array<i64: 256, 768>}]} {
    %get3A = arith.constant 0 : index
    %get3A_0 = arith.constant 0 : index
    %get3A_1 = vector.load %arg1[%get3A, %get3A_0] : memref<256x768xf32, #tpu.memory_space<vmem>>, vector<256x768xf32>
    %swap3A = arith.constant 0 : index
    %swap3A_2 = arith.constant 0 : index
    %swap3A_3 = vector.load %arg3[%swap3A, %swap3A_2] : memref<256x768xf32, #tpu.memory_space<vmem>>, vector<256x768xf32>
    tpu.vector_store %arg3[%swap3A, %swap3A_2], %get3A_1 {strides = array<i32>} : memref<256x768xf32, #tpu.memory_space<vmem>>, vector<256x768xf32>,
    return
  }
  func.func @transform_0(%arg0: i32) -> (i32, i32) {
    %c0_i32 = arith.constant 0 : i32
    %c0_i32_0 = arith.constant 0 : i32
    return %c0_i32, %arg0 : i32, i32
  }
  func.func @transform_2(%arg0: i32) -> (i32, i32) {
    %c0_i32 = arith.constant 0 : i32
    %c0_i32_0 = arith.constant 0 : i32
    return %c0_i32, %arg0 : i32, i32
  }
}

module attributes {stable_mosaic.version = 14 : i64} {
  func.func @_sim_topk_body(%arg0: i32, %arg1: memref<256x768xf32, #tpu.memory_space<vmem>>, %arg2: memref<1024x768xf32, #tpu.memory_space<vmem>>, %arg3: memref<256x1024xf32, #tpu.memory_space<vmem>>, %arg4: memref<256x4xf32, #tpu.memory_space<vmem>>, %arg5: memref<256x4xi32, #tpu.memory_space<vmem>>, %arg6: memref<256x1xi32, #tpu.memory_space<vmem>>, %arg7: memref<256x4xf32, #tpu.memory_space<vmem>>, %arg8: memref<256x4xi32, #tpu.memory_space<vmem>>) attributes {dimension_semantics = [#tpu.dimension_semantics<arbitrary>], iteration_bounds = array<i64: 8>, scalar_prefetch = 0 : i64, scratch_operands = 2 : i64, tpu.core_type = #tpu.core_type<tc>, window_params = [{pipeline_mode = #tpu.pipeline_mode<synchronous>, transform_indices = @transform_0, window_bounds = array<i64: 256, 768>}, {transform_indices = @transform_1, window_bounds = array<i64: 1024, 768>}, {transform_indices = @transform_2, window_bounds = array<i64: 256, 1024>}, {pipeline_mode = #tpu.pipeline_mode<synchronous>, transform_indices = @transform_3, window_bounds = array<i64: 256, 4>}, {pipeline_mode = #tpu.pipeline_mode<synchronous>, transform_indices = @transform_4, window_bounds = array<i64: 256, 4>}, {pipeline_mode = #tpu.pipeline_mode<synchronous>, transform_indices = @transform_5, window_bounds = array<i64: 256, 1>}]} {
    %get3A = arith.constant 0 : index
    %get3A_0 = arith.constant 0 : index
    %get3A_1 = vector.load %arg1[%get3A, %get3A_0] : memref<256x768xf32, #tpu.memory_space<vmem>>, vector<256x768xf32>
    %get3A_2 = arith.constant 0 : index
    %get3A_3 = arith.constant 0 : index
    %get3A_4 = vector.load %arg2[%get3A_2, %get3A_3] : memref<1024x768xf32, #tpu.memory_space<vmem>>, vector<1024x768xf32>
    %mul3A = arith.mulf %get3A_4, %get3A_4 : vector<1024x768xf32>
    %reduce_sum3A = arith.constant dense<0.000000e+00> : vector<1024xf32>
    %reduce_sum3A_5 = vector.multi_reduction <add>, %mul3A, %reduce_sum3A [1] : vector<1024x768xf32> to vector<1024xf32>
    %broadcast_in_dim3A = vector.shape_cast %reduce_sum3A_5 : vector<1024xf32> to vector<1024x1xf32>
    %max3A = arith.constant 9.99999996E-13 : f32
    %max3A_6 = vector.broadcast %max3A : f32 to vector<1024x1xf32>
    %max3A_7 = arith.maximumf %broadcast_in_dim3A, %max3A_6 : vector<1024x1xf32>
    %rsqrt3A = math.rsqrt %max3A_7 : vector<1024x1xf32>
    %mul3A_8 = vector.broadcast %rsqrt3A : vector<1024x1xf32> to vector<1024x768xf32>
    %mul3A_9 = arith.mulf %get3A_4, %mul3A_8 : vector<1024x768xf32>
    %dot_general3A = arith.constant dense<0.000000e+00> : vector<256x1024xf32>
    %dot_general3A_10 = tpu.matmul %get3A_1, %mul3A_9, %dot_general3A {dimension_numbers = #tpu.dot_dimension_numbers<[1], [1], [0], [0], [0, 0, 1, 0], [], []>, transpose_lhs_hint = false} : vector<256x768xf32>, vector<1024x768xf32>, vector<256x1024xf32> -> vector<256x1024xf32>
    %swap3A = arith.constant 0 : index
    %swap3A_11 = arith.constant 0 : index
    %swap3A_12 = vector.load %arg3[%swap3A, %swap3A_11] : memref<256x1024xf32, #tpu.memory_space<vmem>>, vector<256x1024xf32>
    tpu.vector_store %arg3[%swap3A, %swap3A_11], %dot_general3A_10 {strides = array<i32>} : memref<256x1024xf32, #tpu.memory_space<vmem>>, vector<256x1024xf32>,
    %iota3A = tpu.iota {dimensions = array<i32: 1>} : vector<256x1024xi32>
    %mul3A_13 = arith.constant 1024 : i32
    %mul3A_14 = arith.muli %arg0, %mul3A_13 : i32
    %reduce_max3A = arith.constant dense<0xFF800000> : vector<256xf32>
    %reduce_max3A_15 = vector.multi_reduction <maximumf>, %dot_general3A_10, %reduce_max3A [1] : vector<256x1024xf32> to vector<256xf32>
    %broadcast_in_dim3A_16 = vector.shape_cast %reduce_max3A_15 : vector<256xf32> to vector<256x1xf32>
    %eq3A = vector.broadcast %broadcast_in_dim3A_16 : vector<256x1xf32> to vector<256x1024xf32>
    %eq3A_17 = arith.cmpf oeq, %dot_general3A_10, %eq3A : vector<256x1024xf32>
    %jit3A = arith.constant 1073741824 : i32
    %broadcast_in_dim3A_18 = vector.broadcast %jit3A : i32 to vector<256x1024xi32>
    %select_n3A = arith.select %eq3A_17, %iota3A, %broadcast_in_dim3A_18 : vector<256x1024xi1>, vector<256x1024xi32>
    %reduce_min3A = arith.constant dense<2147483647> : vector<256xi32>
    %reduce_min3A_19 = vector.multi_reduction <minsi>, %select_n3A, %reduce_min3A [1] : vector<256x1024xi32> to vector<256xi32>
    %broadcast_in_dim3A_20 = vector.shape_cast %reduce_min3A_19 : vector<256xi32> to vector<256x1xi32>
    %add3A = vector.broadcast %mul3A_14 : i32 to vector<256x1xi32>
    %add3A_21 = arith.addi %broadcast_in_dim3A_20, %add3A : vector<256x1xi32>
    %eq3A_22 = vector.broadcast %broadcast_in_dim3A_20 : vector<256x1xi32> to vector<256x1024xi32>
    %eq3A_23 = arith.cmpi eq, %iota3A, %eq3A_22 : vector<256x1024xi32>
    %jit3A_24 = arith.constant 0xFF800000 : f32
    %broadcast_in_dim3A_25 = vector.broadcast %jit3A_24 : f32 to vector<256x1024xf32>
    %select_n3A_26 = arith.select %eq3A_23, %broadcast_in_dim3A_25, %dot_general3A_10 : vector<256x1024xi1>, vector<256x1024xf32>
    %reduce_max3A_27 = arith.constant dense<0xFF800000> : vector<256xf32>
    %reduce_max3A_28 = vector.multi_reduction <maximumf>, %select_n3A_26, %reduce_max3A_27 [1] : vector<256x1024xf32> to vector<256xf32>
    %broadcast_in_dim3A_29 = vector.shape_cast %reduce_max3A_28 : vector<256xf32> to vector<256x1xf32>
    %eq3A_30 = vector.broadcast %broadcast_in_dim3A_29 : vector<256x1xf32> to vector<256x1024xf32>
    %eq3A_31 = arith.cmpf oeq, %select_n3A_26, %eq3A_30 : vector<256x1024xf32>
    %jit3A_32 = arith.constant 1073741824 : i32
    %broadcast_in_dim3A_33 = vector.broadcast %jit3A_32 : i32 to vector<256x1024xi32>
    %select_n3A_34 = arith.select %eq3A_31, %iota3A, %broadcast_in_dim3A_33 : vector<256x1024xi1>, vector<256x1024xi32>
    %reduce_min3A_35 = arith.constant dense<2147483647> : vector<256xi32>
    %reduce_min3A_36 = vector.multi_reduction <minsi>, %select_n3A_34, %reduce_min3A_35 [1] : vector<256x1024xi32> to vector<256xi32>
    %broadcast_in_dim3A_37 = vector.shape_cast %reduce_min3A_36 : vector<256xi32> to vector<256x1xi32>
    %add3A_38 = vector.broadcast %mul3A_14 : i32 to vector<256x1xi32>
    %add3A_39 = arith.addi %broadcast_in_dim3A_37, %add3A_38 : vector<256x1xi32>
    %eq3A_40 = vector.broadcast %broadcast_in_dim3A_37 : vector<256x1xi32> to vector<256x1024xi32>
    %eq3A_41 = arith.cmpi eq, %iota3A, %eq3A_40 : vector<256x1024xi32>
    %jit3A_42 = arith.constant 0xFF800000 : f32
    %broadcast_in_dim3A_43 = vector.broadcast %jit3A_42 : f32 to vector<256x1024xf32>
    %select_n3A_44 = arith.select %eq3A_41, %broadcast_in_dim3A_43, %select_n3A_26 : vector<256x1024xi1>, vector<256x1024xf32>
    %reduce_max3A_45 = arith.constant dense<0xFF800000> : vector<256xf32>
    %reduce_max3A_46 = vector.multi_reduction <maximumf>, %select_n3A_44, %reduce_max3A_45 [1] : vector<256x1024xf32> to vector<256xf32>
    %broadcast_in_dim3A_47 = vector.shape_cast %reduce_max3A_46 : vector<256xf32> to vector<256x1xf32>
    %eq3A_48 = vector.broadcast %broadcast_in_dim3A_47 : vector<256x1xf32> to vector<256x1024xf32>
    %eq3A_49 = arith.cmpf oeq, %select_n3A_44, %eq3A_48 : vector<256x1024xf32>
    %jit3A_50 = arith.constant 1073741824 : i32
    %broadcast_in_dim3A_51 = vector.broadcast %jit3A_50 : i32 to vector<256x1024xi32>
    %select_n3A_52 = arith.select %eq3A_49, %iota3A, %broadcast_in_dim3A_51 : vector<256x1024xi1>, vector<256x1024xi32>
    %reduce_min3A_53 = arith.constant dense<2147483647> : vector<256xi32>
    %reduce_min3A_54 = vector.multi_reduction <minsi>, %select_n3A_52, %reduce_min3A_53 [1] : vector<256x1024xi32> to vector<256xi32>
    %broadcast_in_dim3A_55 = vector.shape_cast %reduce_min3A_54 : vector<256xi32> to vector<256x1xi32>
    %add3A_56 = vector.broadcast %mul3A_14 : i32 to vector<256x1xi32>
    %add3A_57 = arith.addi %broadcast_in_dim3A_55, %add3A_56 : vector<256x1xi32>
    %eq3A_58 = vector.broadcast %broadcast_in_dim3A_55 : vector<256x1xi32> to vector<256x1024xi32>
    %eq3A_59 = arith.cmpi eq, %iota3A, %eq3A_58 : vector<256x1024xi32>
    %jit3A_60 = arith.constant 0xFF800000 : f32
    %broadcast_in_dim3A_61 = vector.broadcast %jit3A_60 : f32 to vector<256x1024xf32>
    %select_n3A_62 = arith.select %eq3A_59, %broadcast_in_dim3A_61, %select_n3A_44 : vector<256x1024xi1>, vector<256x1024xf32>
    %reduce_max3A_63 = arith.constant dense<0xFF800000> : vector<256xf32>
    %reduce_max3A_64 = vector.multi_reduction <maximumf>, %select_n3A_62, %reduce_max3A_63 [1] : vector<256x1024xf32> to vector<256xf32>
    %broadcast_in_dim3A_65 = vector.shape_cast %reduce_max3A_64 : vector<256xf32> to vector<256x1xf32>
    %eq3A_66 = vector.broadcast %broadcast_in_dim3A_65 : vector<256x1xf32> to vector<256x1024xf32>
    %eq3A_67 = arith.cmpf oeq, %select_n3A_62, %eq3A_66 : vector<256x1024xf32>
    %jit3A_68 = arith.constant 1073741824 : i32
    %broadcast_in_dim3A_69 = vector.broadcast %jit3A_68 : i32 to vector<256x1024xi32>
    %select_n3A_70 = arith.select %eq3A_67, %iota3A, %broadcast_in_dim3A_69 : vector<256x1024xi1>, vector<256x1024xi32>
    %reduce_min3A_71 = arith.constant dense<2147483647> : vector<256xi32>
    %reduce_min3A_72 = vector.multi_reduction <minsi>, %select_n3A_70, %reduce_min3A_71 [1] : vector<256x1024xi32> to vector<256xi32>
    %broadcast_in_dim3A_73 = vector.shape_cast %reduce_min3A_72 : vector<256xi32> to vector<256x1xi32>
    %add3A_74 = vector.broadcast %mul3A_14 : i32 to vector<256x1xi32>
    %add3A_75 = arith.addi %broadcast_in_dim3A_73, %add3A_74 : vector<256x1xi32>
    %concatenate3A = tpu.concatenate %broadcast_in_dim3A_16, %broadcast_in_dim3A_29, %broadcast_in_dim3A_47, %broadcast_in_dim3A_65 in 1 : vector<256x1xf32>, vector<256x1xf32>, vector<256x1xf32>, vector<256x1xf32> -> vector<256x4xf32>
    %concatenate3A_76 = tpu.concatenate %add3A_21, %add3A_39, %add3A_57, %add3A_75 in 1 : vector<256x1xi32>, vector<256x1xi32>, vector<256x1xi32>, vector<256x1xi32> -> vector<256x4xi32>
    %eq3A_77 = arith.constant 0 : i32
    %eq3A_78 = arith.cmpi eq, %arg0, %eq3A_77 : i32
    %convert_element_type3A = arith.extui %eq3A_78 : i1 to i32
    %cond3A = arith.constant 0 : i32
    %cond3A_79 = arith.cmpi ne, %convert_element_type3A, %cond3A : i32
    scf.if %cond3A_79 {
      %swap3A_89 = arith.constant 0 : index
      %swap3A_90 = arith.constant 0 : index
      %swap3A_91 = vector.load %arg7[%swap3A_89, %swap3A_90] : memref<256x4xf32, #tpu.memory_space<vmem>>, vector<256x4xf32>
      tpu.vector_store %arg7[%swap3A_89, %swap3A_90], %concatenate3A {strides = array<i32>} : memref<256x4xf32, #tpu.memory_space<vmem>>, vector<256x4xf32>,
      %swap3A_92 = arith.constant 0 : index
      %swap3A_93 = arith.constant 0 : index
      %swap3A_94 = vector.load %arg8[%swap3A_92, %swap3A_93] : memref<256x4xi32, #tpu.memory_space<vmem>>, vector<256x4xi32>
      tpu.vector_store %arg8[%swap3A_92, %swap3A_93], %concatenate3A_76 {strides = array<i32>} : memref<256x4xi32, #tpu.memory_space<vmem>>, vector<256x4xi32>,
    } else {
    }
    %gt3A = arith.constant 0 : i32
    %gt3A_80 = arith.cmpi sgt, %arg0, %gt3A : i32
    %convert_element_type3A_81 = arith.extui %gt3A_80 : i1 to i32
    %cond3A_82 = arith.constant 0 : i32
    %cond3A_83 = arith.cmpi ne, %convert_element_type3A_81, %cond3A_82 : i32
    scf.if %cond3A_83 {
      %get3A_89 = arith.constant 0 : index
      %get3A_90 = arith.constant 0 : index
      %get3A_91 = vector.load %arg7[%get3A_89, %get3A_90] : memref<256x4xf32, #tpu.memory_space<vmem>>, vector<256x4xf32>
      %concatenate3A_92 = tpu.concatenate %get3A_91, %concatenate3A in 1 : vector<256x4xf32>, vector<256x4xf32> -> vector<256x8xf32>
      %get3A_93 = arith.constant 0 : index
      %get3A_94 = arith.constant 0 : index
      %get3A_95 = vector.load %arg8[%get3A_93, %get3A_94] : memref<256x4xi32, #tpu.memory_space<vmem>>, vector<256x4xi32>
      %concatenate3A_96 = tpu.concatenate %get3A_95, %concatenate3A_76 in 1 : vector<256x4xi32>, vector<256x4xi32> -> vector<256x8xi32>
      %iota3A_97 = tpu.iota {dimensions = array<i32: 1>} : vector<256x8xi32>
      %reduce_max3A_98 = arith.constant dense<0xFF800000> : vector<256xf32>
      %reduce_max3A_99 = vector.multi_reduction <maximumf>, %concatenate3A_92, %reduce_max3A_98 [1] : vector<256x8xf32> to vector<256xf32>
      %broadcast_in_dim3A_100 = vector.shape_cast %reduce_max3A_99 : vector<256xf32> to vector<256x1xf32>
      %eq3A_101 = vector.broadcast %broadcast_in_dim3A_100 : vector<256x1xf32> to vector<256x8xf32>
      %eq3A_102 = arith.cmpf oeq, %concatenate3A_92, %eq3A_101 : vector<256x8xf32>
      %jit3A_103 = arith.constant 1073741824 : i32
      %broadcast_in_dim3A_104 = vector.broadcast %jit3A_103 : i32 to vector<256x8xi32>
      %select_n3A_105 = arith.select %eq3A_102, %iota3A_97, %broadcast_in_dim3A_104 : vector<256x8xi1>, vector<256x8xi32>
      %reduce_min3A_106 = arith.constant dense<2147483647> : vector<256xi32>
      %reduce_min3A_107 = vector.multi_reduction <minsi>, %select_n3A_105, %reduce_min3A_106 [1] : vector<256x8xi32> to vector<256xi32>
      %broadcast_in_dim3A_108 = vector.shape_cast %reduce_min3A_107 : vector<256xi32> to vector<256x1xi32>
      %eq3A_109 = vector.broadcast %broadcast_in_dim3A_108 : vector<256x1xi32> to vector<256x8xi32>
      %eq3A_110 = arith.cmpi eq, %iota3A_97, %eq3A_109 : vector<256x8xi32>
      %jit3A_111 = arith.constant 0 : i32
      %broadcast_in_dim3A_112 = vector.broadcast %jit3A_111 : i32 to vector<256x8xi32>
      %select_n3A_113 = arith.select %eq3A_110, %concatenate3A_96, %broadcast_in_dim3A_112 : vector<256x8xi1>, vector<256x8xi32>
      %reduce_sum3A_114 = arith.constant dense<0> : vector<256xi32>
      %reduce_sum3A_115 = vector.multi_reduction <add>, %select_n3A_113, %reduce_sum3A_114 [1] : vector<256x8xi32> to vector<256xi32>
      %broadcast_in_dim3A_116 = vector.shape_cast %reduce_sum3A_115 : vector<256xi32> to vector<256x1xi32>
      %eq3A_117 = vector.broadcast %broadcast_in_dim3A_108 : vector<256x1xi32> to vector<256x8xi32>
      %eq3A_118 = arith.cmpi eq, %iota3A_97, %eq3A_117 : vector<256x8xi32>
      %jit3A_119 = arith.constant 0xFF800000 : f32
      %broadcast_in_dim3A_120 = vector.broadcast %jit3A_119 : f32 to vector<256x8xf32>
      %select_n3A_121 = arith.select %eq3A_118, %broadcast_in_dim3A_120, %concatenate3A_92 : vector<256x8xi1>, vector<256x8xf32>
      %reduce_max3A_122 = arith.constant dense<0xFF800000> : vector<256xf32>
      %reduce_max3A_123 = vector.multi_reduction <maximumf>, %select_n3A_121, %reduce_max3A_122 [1] : vector<256x8xf32> to vector<256xf32>
      %broadcast_in_dim3A_124 = vector.shape_cast %reduce_max3A_123 : vector<256xf32> to vector<256x1xf32>
      %eq3A_125 = vector.broadcast %broadcast_in_dim3A_124 : vector<256x1xf32> to vector<256x8xf32>
      %eq3A_126 = arith.cmpf oeq, %select_n3A_121, %eq3A_125 : vector<256x8xf32>
      %jit3A_127 = arith.constant 1073741824 : i32
      %broadcast_in_dim3A_128 = vector.broadcast %jit3A_127 : i32 to vector<256x8xi32>
      %select_n3A_129 = arith.select %eq3A_126, %iota3A_97, %broadcast_in_dim3A_128 : vector<256x8xi1>, vector<256x8xi32>
      %reduce_min3A_130 = arith.constant dense<2147483647> : vector<256xi32>
      %reduce_min3A_131 = vector.multi_reduction <minsi>, %select_n3A_129, %reduce_min3A_130 [1] : vector<256x8xi32> to vector<256xi32>
      %broadcast_in_dim3A_132 = vector.shape_cast %reduce_min3A_131 : vector<256xi32> to vector<256x1xi32>
      %eq3A_133 = vector.broadcast %broadcast_in_dim3A_132 : vector<256x1xi32> to vector<256x8xi32>
      %eq3A_134 = arith.cmpi eq, %iota3A_97, %eq3A_133 : vector<256x8xi32>
      %jit3A_135 = arith.constant 0 : i32
      %broadcast_in_dim3A_136 = vector.broadcast %jit3A_135 : i32 to vector<256x8xi32>
      %select_n3A_137 = arith.select %eq3A_134, %concatenate3A_96, %broadcast_in_dim3A_136 : vector<256x8xi1>, vector<256x8xi32>
      %reduce_sum3A_138 = arith.constant dense<0> : vector<256xi32>
      %reduce_sum3A_139 = vector.multi_reduction <add>, %select_n3A_137, %reduce_sum3A_138 [1] : vector<256x8xi32> to vector<256xi32>
      %broadcast_in_dim3A_140 = vector.shape_cast %reduce_sum3A_139 : vector<256xi32> to vector<256x1xi32>
      %eq3A_141 = vector.broadcast %broadcast_in_dim3A_132 : vector<256x1xi32> to vector<256x8xi32>
      %eq3A_142 = arith.cmpi eq, %iota3A_97, %eq3A_141 : vector<256x8xi32>
      %jit3A_143 = arith.constant 0xFF800000 : f32
      %broadcast_in_dim3A_144 = vector.broadcast %jit3A_143 : f32 to vector<256x8xf32>
      %select_n3A_145 = arith.select %eq3A_142, %broadcast_in_dim3A_144, %select_n3A_121 : vector<256x8xi1>, vector<256x8xf32>
      %reduce_max3A_146 = arith.constant dense<0xFF800000> : vector<256xf32>
      %reduce_max3A_147 = vector.multi_reduction <maximumf>, %select_n3A_145, %reduce_max3A_146 [1] : vector<256x8xf32> to vector<256xf32>
      %broadcast_in_dim3A_148 = vector.shape_cast %reduce_max3A_147 : vector<256xf32> to vector<256x1xf32>
      %eq3A_149 = vector.broadcast %broadcast_in_dim3A_148 : vector<256x1xf32> to vector<256x8xf32>
      %eq3A_150 = arith.cmpf oeq, %select_n3A_145, %eq3A_149 : vector<256x8xf32>
      %jit3A_151 = arith.constant 1073741824 : i32
      %broadcast_in_dim3A_152 = vector.broadcast %jit3A_151 : i32 to vector<256x8xi32>
      %select_n3A_153 = arith.select %eq3A_150, %iota3A_97, %broadcast_in_dim3A_152 : vector<256x8xi1>, vector<256x8xi32>
      %reduce_min3A_154 = arith.constant dense<2147483647> : vector<256xi32>
      %reduce_min3A_155 = vector.multi_reduction <minsi>, %select_n3A_153, %reduce_min3A_154 [1] : vector<256x8xi32> to vector<256xi32>
      %broadcast_in_dim3A_156 = vector.shape_cast %reduce_min3A_155 : vector<256xi32> to vector<256x1xi32>
      %eq3A_157 = vector.broadcast %broadcast_in_dim3A_156 : vector<256x1xi32> to vector<256x8xi32>
      %eq3A_158 = arith.cmpi eq, %iota3A_97, %eq3A_157 : vector<256x8xi32>
      %jit3A_159 = arith.constant 0 : i32
      %broadcast_in_dim3A_160 = vector.broadcast %jit3A_159 : i32 to vector<256x8xi32>
      %select_n3A_161 = arith.select %eq3A_158, %concatenate3A_96, %broadcast_in_dim3A_160 : vector<256x8xi1>, vector<256x8xi32>
      %reduce_sum3A_162 = arith.constant dense<0> : vector<256xi32>
      %reduce_sum3A_163 = vector.multi_reduction <add>, %select_n3A_161, %reduce_sum3A_162 [1] : vector<256x8xi32> to vector<256xi32>
      %broadcast_in_dim3A_164 = vector.shape_cast %reduce_sum3A_163 : vector<256xi32> to vector<256x1xi32>
      %eq3A_165 = vector.broadcast %broadcast_in_dim3A_156 : vector<256x1xi32> to vector<256x8xi32>
      %eq3A_166 = arith.cmpi eq, %iota3A_97, %eq3A_165 : vector<256x8xi32>
      %jit3A_167 = arith.constant 0xFF800000 : f32
      %broadcast_in_dim3A_168 = vector.broadcast %jit3A_167 : f32 to vector<256x8xf32>
      %select_n3A_169 = arith.select %eq3A_166, %broadcast_in_dim3A_168, %select_n3A_145 : vector<256x8xi1>, vector<256x8xf32>
      %reduce_max3A_170 = arith.constant dense<0xFF800000> : vector<256xf32>
      %reduce_max3A_171 = vector.multi_reduction <maximumf>, %select_n3A_169, %reduce_max3A_170 [1] : vector<256x8xf32> to vector<256xf32>
      %broadcast_in_dim3A_172 = vector.shape_cast %reduce_max3A_171 : vector<256xf32> to vector<256x1xf32>
      %eq3A_173 = vector.broadcast %broadcast_in_dim3A_172 : vector<256x1xf32> to vector<256x8xf32>
      %eq3A_174 = arith.cmpf oeq, %select_n3A_169, %eq3A_173 : vector<256x8xf32>
      %jit3A_175 = arith.constant 1073741824 : i32
      %broadcast_in_dim3A_176 = vector.broadcast %jit3A_175 : i32 to vector<256x8xi32>
      %select_n3A_177 = arith.select %eq3A_174, %iota3A_97, %broadcast_in_dim3A_176 : vector<256x8xi1>, vector<256x8xi32>
      %reduce_min3A_178 = arith.constant dense<2147483647> : vector<256xi32>
      %reduce_min3A_179 = vector.multi_reduction <minsi>, %select_n3A_177, %reduce_min3A_178 [1] : vector<256x8xi32> to vector<256xi32>
      %broadcast_in_dim3A_180 = vector.shape_cast %reduce_min3A_179 : vector<256xi32> to vector<256x1xi32>
      %eq3A_181 = vector.broadcast %broadcast_in_dim3A_180 : vector<256x1xi32> to vector<256x8xi32>
      %eq3A_182 = arith.cmpi eq, %iota3A_97, %eq3A_181 : vector<256x8xi32>
      %jit3A_183 = arith.constant 0 : i32
      %broadcast_in_dim3A_184 = vector.broadcast %jit3A_183 : i32 to vector<256x8xi32>
      %select_n3A_185 = arith.select %eq3A_182, %concatenate3A_96, %broadcast_in_dim3A_184 : vector<256x8xi1>, vector<256x8xi32>
      %reduce_sum3A_186 = arith.constant dense<0> : vector<256xi32>
      %reduce_sum3A_187 = vector.multi_reduction <add>, %select_n3A_185, %reduce_sum3A_186 [1] : vector<256x8xi32> to vector<256xi32>
      %broadcast_in_dim3A_188 = vector.shape_cast %reduce_sum3A_187 : vector<256xi32> to vector<256x1xi32>
      %concatenate3A_189 = tpu.concatenate %broadcast_in_dim3A_100, %broadcast_in_dim3A_124, %broadcast_in_dim3A_148, %broadcast_in_dim3A_172 in 1 : vector<256x1xf32>, vector<256x1xf32>, vector<256x1xf32>, vector<256x1xf32> -> vector<256x4xf32>
      %swap3A_190 = arith.constant 0 : index
      %swap3A_191 = arith.constant 0 : index
      %swap3A_192 = vector.load %arg7[%swap3A_190, %swap3A_191] : memref<256x4xf32, #tpu.memory_space<vmem>>, vector<256x4xf32>
      tpu.vector_store %arg7[%swap3A_190, %swap3A_191], %concatenate3A_189 {strides = array<i32>} : memref<256x4xf32, #tpu.memory_space<vmem>>, vector<256x4xf32>,
      %concatenate3A_193 = tpu.concatenate %broadcast_in_dim3A_116, %broadcast_in_dim3A_140, %broadcast_in_dim3A_164, %broadcast_in_dim3A_188 in 1 : vector<256x1xi32>, vector<256x1xi32>, vector<256x1xi32>, vector<256x1xi32> -> vector<256x4xi32>
      %swap3A_194 = arith.constant 0 : index
      %swap3A_195 = arith.constant 0 : index
      %swap3A_196 = vector.load %arg8[%swap3A_194, %swap3A_195] : memref<256x4xi32, #tpu.memory_space<vmem>>, vector<256x4xi32>
      tpu.vector_store %arg8[%swap3A_194, %swap3A_195], %concatenate3A_193 {strides = array<i32>} : memref<256x4xi32, #tpu.memory_space<vmem>>, vector<256x4xi32>,
    } else {
    }
    %eq3A_84 = arith.constant 7 : i32
    %eq3A_85 = arith.cmpi eq, %arg0, %eq3A_84 : i32
    %convert_element_type3A_86 = arith.extui %eq3A_85 : i1 to i32
    %cond3A_87 = arith.constant 0 : i32
    %cond3A_88 = arith.cmpi ne, %convert_element_type3A_86, %cond3A_87 : i32
    scf.if %cond3A_88 {
      %get3A_89 = arith.constant 0 : index
      %get3A_90 = arith.constant 0 : index
      %get3A_91 = vector.load %arg7[%get3A_89, %get3A_90] : memref<256x4xf32, #tpu.memory_space<vmem>>, vector<256x4xf32>
      %swap3A_92 = arith.constant 0 : index
      %swap3A_93 = arith.constant 0 : index
      %swap3A_94 = vector.load %arg4[%swap3A_92, %swap3A_93] : memref<256x4xf32, #tpu.memory_space<vmem>>, vector<256x4xf32>
      tpu.vector_store %arg4[%swap3A_92, %swap3A_93], %get3A_91 {strides = array<i32>} : memref<256x4xf32, #tpu.memory_space<vmem>>, vector<256x4xf32>,
      %get3A_95 = arith.constant 0 : index
      %get3A_96 = arith.constant 0 : index
      %get3A_97 = vector.load %arg8[%get3A_95, %get3A_96] : memref<256x4xi32, #tpu.memory_space<vmem>>, vector<256x4xi32>
      %swap3A_98 = arith.constant 0 : index
      %swap3A_99 = arith.constant 0 : index
      %swap3A_100 = vector.load %arg5[%swap3A_98, %swap3A_99] : memref<256x4xi32, #tpu.memory_space<vmem>>, vector<256x4xi32>
      tpu.vector_store %arg5[%swap3A_98, %swap3A_99], %get3A_97 {strides = array<i32>} : memref<256x4xi32, #tpu.memory_space<vmem>>, vector<256x4xi32>,
      %get3A_101 = arith.constant 0 : index
      %get3A_102 = arith.constant 0 : index
      %get3A_103 = vector.load %arg8[%get3A_101, %get3A_102] : memref<256x4xi32, #tpu.memory_space<vmem>>, vector<256x1xi32>
      %swap3A_104 = arith.constant 0 : index
      %swap3A_105 = arith.constant 0 : index
      %swap3A_106 = vector.load %arg6[%swap3A_104, %swap3A_105] : memref<256x1xi32, #tpu.memory_space<vmem>>, vector<256x1xi32>
      tpu.vector_store %arg6[%swap3A_104, %swap3A_105], %get3A_103 {strides = array<i32>} : memref<256x1xi32, #tpu.memory_space<vmem>>, vector<256x1xi32>,
    } else {
    }
    return
  }
  func.func @transform_0(%arg0: i32) -> (i32, i32) {
    %c0_i32 = arith.constant 0 : i32
    %c0_i32_0 = arith.constant 0 : i32
    %c0_i32_1 = arith.constant 0 : i32
    return %c0_i32, %c0_i32_0 : i32, i32
  }
  func.func @transform_1(%arg0: i32) -> (i32, i32) {
    %c0_i32 = arith.constant 0 : i32
    %c0_i32_0 = arith.constant 0 : i32
    return %arg0, %c0_i32 : i32, i32
  }
  func.func @transform_2(%arg0: i32) -> (i32, i32) {
    %c0_i32 = arith.constant 0 : i32
    %c0_i32_0 = arith.constant 0 : i32
    return %c0_i32, %arg0 : i32, i32
  }
  func.func @transform_3(%arg0: i32) -> (i32, i32) {
    %c0_i32 = arith.constant 0 : i32
    %c0_i32_0 = arith.constant 0 : i32
    %c0_i32_1 = arith.constant 0 : i32
    return %c0_i32, %c0_i32_0 : i32, i32
  }
  func.func @transform_4(%arg0: i32) -> (i32, i32) {
    %c0_i32 = arith.constant 0 : i32
    %c0_i32_0 = arith.constant 0 : i32
    %c0_i32_1 = arith.constant 0 : i32
    return %c0_i32, %c0_i32_0 : i32, i32
  }
  func.func @transform_5(%arg0: i32) -> (i32, i32) {
    %c0_i32 = arith.constant 0 : i32
    %c0_i32_0 = arith.constant 0 : i32
    %c0_i32_1 = arith.constant 0 : i32
    return %c0_i32, %c0_i32_0 : i32, i32
  }
}

</mosaic_0001>

<sc_bundles>
// kernel: kernel.6.cloned.1.call-start
scs
__scs_entry_jumppad:
0x0: {  	(pc) =	sbr.rel $0x88, $3  }
0x1: {  	(tag) =	ssettag $0x0;
	lr =	simm.s32 $0x1  }
0x2: {  	[smem:$0x3F9E] =	sst lr;
	_ =	strace $0xD0000000  }
0x3: {  	_ = 	snop  }
0x4: {  	_ = 	snop  }
0x5: {  	_ = 	snop  }
0x6: {  	_ = 	snop  }
0x7: {  	_ = 	snop  }
__scs_overlays_trampoline_lowered:
0x8: {  	[smem:$0x3FAD] =	sst s0  }
0x9: {  	[smem:$0x3FAE] =	sst s1  }
0xa: {  	[smem:$0x3FAF] =	sst s2  }
0xb: {  	[smem:$0x3FB0] =	sst s3  }
0xc: {  	[smem:$0x3FB1] =	sst s4  }
0xd: {  	[smem:$0x3FB2] =	sst s5  }
0xe: {  	[smem:$0x3FB3] =	sst s6  }
0xf: {  	[smem:$0x3FB4] =	sst s7  }
0x10: {  	[smem:$0x3FB5] =	sst s8  }
0x11: {  	[smem:$0x3FB6] =	sst s9;
	s0 =	simm.s32 @!p0 $0x0  }
0x12: {  	s1 =	sld [smem:$0x3F9C];
	s0 =	simm.s32 @p0 $0x1  }
0x13: {  	[smem:$0x3FB7] =	sst s0;
	s0 =	simm.s32 @!p1 $0x0  }
0x14: {  	s2 =	sld [smem:$0x3F9B];
	s0 =	simm.s32 @p1 $0x1  }
0x15: {  	[smem:$0x3FB8] =	sst s0;
	s0 =	simm.s32 @!p2 $0x0  }
0x16: {  	s3 =	sld [smem:$0x3FDB];
	s0 =	simm.s32 @p2 $0x1  }
0x17: {  	s4 =	simm.s32 $0x1BF5;
	[smem:$0x3FBA] =	sst s0  }
0x18: {  	s0 =	sld [smem:$0x3F9D];
	_ =	swait.ge [sflag:s4], $0x0  }
0x19: {  	s7 =	sld [smem:$0x3F9E]  }
0x1a: {  	s8 =	sadd.s32 $0xFFFFE003, lr  }
0x1b: {  	s9 =	sadd.s32 $0xFFFFFEF7, lr;
	s5 =	simm.s32 $0xFFFFFFFF;
	p2 =	slt.u32 s8, $0xFFFFF086  }
0x1c: {  	p1 =	slt.u32 s9, $0xF7A;
	s5 =	simm.s32 @!p2 $0x0  }
0x1d: {  	s5 =	simm.s32 @p1 $0x1;
	p0 =	seq.s32 s7, s2  }
0x1e: {  	s7 =	smul.u32 @!p0 $0xF7A, s2;
	p2 =	seq.s32 @!p0 s5, $0x0  }
0x1f: {  	s9 =	smul.u32 $0xF7A, s1;
	s8 =	simm.s32 @!p0 $0x1BF5;
	p2 =	por !p2, p0  }
0x20: {  	[sflag:s8] =	ssyncset.s32 @!p0 $0xFFFFF086;
	s6 =	sadd.s32 @!p0 s3, s7;
	s7 =	simm.s32 @!p0 $0x108  }
0x21: {  	s3 =	sadd.s32 s3, s9;
	s6 =	sadd.s32 @!p0 $0x88, s6;
	s7 =	simm.s32 @p2 $0x1082  }
0x22: {  	[simem:s7], [sflag:s8] =	dma.local @!p0 [hbm:s6], $0xF7A  }
0x23: {  	s9 =	sor.u32 $0xD0000000, s2;
	s6 =	simm.s32 $0x108;
	_ =	swait.ge @!p0 [sflag:s8], $0x0  }
0x24: {  	s3 =	sadd.s32 $0x88, s3;
	s6 =	simm.s32 @!p1 $0x1082;
	[sflag:s4] =	ssyncset.s32 $0xFFFFF086  }
0x25: {  	[simem:s6], [sflag:s4] =	dma.local [hbm:s3], $0xF7A  }
0x26: {  	[smem:$0x3F9E] =	sst s1;
	(tag) =	ssettag s2;
	_ =	strace s9  }
0x27: {  	s1 =	sld [smem:$0x3FAE]  }
0x28: {  	s2 =	sld [smem:$0x3FAF]  }
0x29: {  	s4 =	sld [smem:$0x3FB1]  }
0x2a: {  	p0 =	seq.s32 s5, $0x0;
	s5 =	sld [smem:$0x3FB2]  }
0x2b: {  	s6 =	sld [smem:$0x3FB3]  }
0x2c: {  	s7 =	sld [smem:$0x3FB4]  }
0x2d: {  	s3 =	simm.s32 $0x108;
	s8 =	sld [smem:$0x3FB5]  }
0x2e: {  	s3 =	simm.s32 @!p0 $0x1082;
	s9 =	sld [smem:$0x3FB6]  }
0x2f: {  	lr =	sadd.s32 s0, s3;
	s0 =	sld [smem:$0x3FAD]  }
0x30: {  	s3 =	sld [smem:$0x3FB0]  }
0x31: {  	[smem:$0x3FB9] =	sst s10  }
0x32: {  	s10 =	sld [smem:$0x3FB7];
	_ =	sdelay $0x3  }
0x33: {  	p0 =	seq.s32 s10, $0x1;
	s10 =	sld [smem:$0x3FB9];
	_ =	sdelay $0x3  }
0x34: {  	[smem:$0x3FB9] =	sst s10  }
0x35: {  	s10 =	sld [smem:$0x3FB8];
	_ =	sdelay $0x3  }
0x36: {  	p1 =	seq.s32 s10, $0x1;
	s10 =	sld [smem:$0x3FB9];
	_ =	sdelay $0x3  }
0x37: {  	[smem:$0x3FB9] =	sst s10  }
0x38: {  	s10 =	sld [smem:$0x3FBA]  }
0x39: {  	_ = 	snop;
	(pc) =	sbr.ind lr, $3  }
0x3a: {  	_ = 	snop  }
0x3b: {  	_ = 	snop  }
0x3c: {  	p2 =	seq.s32 s10, $0x1;
	s10 =	sld [smem:$0x3FB9]  }
0x3d: {  	_ =	shalt  }
0x3e: {  	_ =	shalt  }
0x3f: {  	_ =	shalt  }
0x40: {  	_ =	shalt  }
0x41: {  	_ =	shalt  }
0x42: {  	_ =	shalt  }
0x43: {  	_ =	shalt  }
0x44: {  	_ =	shalt  }
0x45: {  	_ =	shalt  }
0x46: {  	_ =	shalt  }
0x47: {  	_ =	shalt  }
0x48: {  	_ =	shalt  }
0x49: {  	_ =	shalt  }
0x4a: {  	_ =	shalt  }
0x4b: {  	_ =	shalt  }
0x4c: {  	_ =	shalt  }
0x4d: {  	_ =	shalt  }
0x4e: {  	_ =	shalt  }
0x4f: {  	_ =	shalt  }
0x50: {  	_ =	shalt  }
0x51: {  	_ =	shalt  }
0x52: {  	_ =	shalt  }
0x53: {  	_ =	shalt  }
0x54: {  	_ =	shalt  }
0x55: {  	_ =	shalt  }
0x56: {  	_ =	shalt  }
0x57: {  	_ =	shalt  }
0x58: {  	_ =	shalt  }
0x59: {  	_ =	shalt  }
0x5a: {  	_ =	shalt  }
0x5b: {  	_ =	shalt  }
0x5c: {  	_ =	shalt  }
0x5d: {  	_ =	shalt  }
0x5e: {  	_ =	shalt  }
0x5f: {  	_ =	shalt  }
0x60: {  	_ =	shalt  }
0x61: {  	_ =	shalt  }
0x62: {  	_ =	shalt  }
0x63: {  	_ =	shalt  }
0x64: {  	_ =	shalt  }
0x65: {  	_ =	shalt  }
0x66: {  	_ =	shalt  }
0x67: {  	_ =	shalt  }
0x68: {  	_ =	shalt  }
0x69: {  	_ =	shalt  }
0x6a: {  	_ =	shalt  }
0x6b: {  	_ =	shalt  }
0x6c: {  	_ =	shalt  }
0x6d: {  	_ =	shalt  }
0x6e: {  	_ =	shalt  }
0x6f: {  	_ =	shalt  }
0x70: {  	_ =	shalt  }
0x71: {  	_ =	shalt  }
0x72: {  	_ =	shalt  }
0x73: {  	_ =	shalt  }
0x74: {  	_ =	shalt  }
0x75: {  	_ =	shalt  }
0x76: {  	_ =	shalt  }
0x77: {  	_ =	shalt  }
0x78: {  	_ =	shalt  }
0x79: {  	_ =	shalt  }
0x7a: {  	_ =	shalt  }
0x7b: {  	_ =	shalt  }
0x7c: {  	_ =	shalt  }
0x7d: {  	_ =	shalt  }
0x7e: {  	_ =	shalt  }
0x7f: {  	_ =	shalt  }
0x80: {  	_ =	shalt  }
0x81: {  	_ =	shalt  }
0x82: {  	_ =	shalt  }
0x83: {  	_ =	shalt  }
0x84: {  	_ =	shalt  }
0x85: {  	_ =	shalt  }
0x86: {  	_ =	shalt  }
0x87: {  	_ =	shalt  }
.Lfunc_end0:
.L_simem_size_0:
called_computation.1_lowered:
.L_overlay_start_0:
0x88: {  	s2 =	sld [smem:$0x3FD9]  }
0x89: {  	s3 =	sld [smem:$0x3FFE];
	_ =	sdelay $0x1  }
0x8a: {  	s1 =	srdreg.scid  }
0x8b: {  	s0 =	sand.u32 $0x1, s1  }
0x8c: {  	s14 =	sshll.u32 s0, $0xA;
	s2 =	sadd.s32 s3, s2  }
0x8d: {  	s2 =	sadd.s32 s2, s14  }
0x8e: {  	[smem:$0x3FC5] =	sst s2  }
0x8f: {  	_ = 	snop  }
0x90: {  	s2 =	sld [smem:$0x3FD0];
	_ =	sdelay $0x2  }
0x91: {  	s15 =	simm.s32 $0xA;
	s4 =	simm.s32 $0x10  }
0x92: {  	[smem:s4], [sflag:s15] =	dma.local [hbm:s2], $0x1  }
0x93: {  	_ =	swait.eq [sflag:s15], $0x1  }
0x94: {  	[sflag:s15] =	ssyncset.done $0x0  }
0x95: {  	[sflag:s15] =	ssyncadd.s32 $0xFFFFFFFF  }
0x96: {  	s16 =	sld [smem:$0x13];
	(tm) =	ssettm $0x1  }
0x97: {  	s17 =	sld [smem:$0x3FFB];
	_ =	sdelay $0x3  }
0x98: {  	_ =	strace s17  }
0x99: {  	s3 =	sld [smem:$0x3FFC];
	_ =	sdelay $0x3  }
0x9a: {  	_ =	strace s3  }
0x9b: {  	s3 =	sld [smem:$0x3FFD];
	_ =	sdelay $0x3  }
0x9c: {  	_ =	strace s3  }
0x9d: {  	_ =	strace $0x8FFFFFFF  }
0x9e: {  	s18 =	sld [smem:$0x3FDB];
	_ =	sdelay $0x1  }
0x9f: {  	s19 =	simm.s32 $_scs_section_size  }
0xa0: {  	s5 =	simm.s32 $_size__tile_overlayer_lowered;
	s6 =	simm.s32 $_tile_overlayer_lowered  }
0xa1: {  	s22 =	simm.s32 $0x1BFF;
	s21 =	sshll.u32 s6, $0x1;
	s3 =	sadd.s32 s19, s18  }
0xa2: {  	s7 =	simm.s32 $0x0;
	s20 =	sshll.u32 s5, $0x1;
	s5 =	sadd.s32 s21, s3  }
0xa3: {  	[timem:s7], [sflag:s22] =	dma.local [hbm:s5], s20  }
0xa4: {  	_ =	swait.ge [sflag:s22], s20  }
0xa5: {  	s4 =	ssub.s32 $0x0, s20;
	[sflag:s22] =	ssyncset.done $0x0  }
0xa6: {  	[sflag:s22] =	ssyncadd.s32 s4;
	_ =	sdelay $0x1  }
0xa7: {  	s23 =	simm.s32 $0x1B8B  }
0xa8: {  	_ =	swait.ge [sflag:s23], $0x1  }
0xa9: {  	[sflag:s23] =	ssyncset.done $0x0  }
0xaa: {  	s25 =	simm.s32 $0x1B8E;
	s24 =	sld [smem:$0x3FFE];
	[sflag:s23] =	ssyncadd.s32 $0xFFFFFFFF  }
0xab: {  	s26 =	simm.s32 $execute0_lowered;
	[smem:$0x3FD2] =	sst s25  }
0xac: {  	s5 =	sshll.u32 s26, $0x1;
	_ =	strace $0x80000046;
	[dreg:$0x1] =	wrdreg $0xFFFFFFFF  }
0xad: {  	s28 =	simm.s32 $_size_execute0_lowered;
	s3 =	sadd.s32 s3, s5;
	[dreg:$0x0] =	wrdreg $0x0  }
0xae: {  	s5 =	sshll.u32 s28, $0x1;
	[dreg:$0x2] =	wrdreg s3  }
0xaf: {  	[dreg:$0x3] =	wrdreg s5  }
0xb0: {  	[dreg:$0x4] =	wrdreg $0xC0  }
0xb1: {  	_ =	task [dreg:s7], $0x5FFFF  }
0xb2: {  	[dreg:$0x1] =	wrdreg $0xFFFFFFFF  }
0xb3: {  	[dreg:$0x0] =	wrdreg $0x60  }
0xb4: {  	[dreg:$0x2] =	wrdreg s24  }
0xb5: {  	[dreg:$0x3] =	wrdreg s16  }
0xb6: {  	[dreg:$0x4] =	wrdreg $0x9  }
0xb7: {  	_ =	task.clear_ibuf [dreg:s7], $0x5FFFF;
	_ =	strace $0x90000046  }
0xb8: {  	s29 =	simm.s32 $0x9;
	_ =	strace $0x80000048  }
0xb9: {  	_ =	swait.ge [sflag:s29], $0x1  }
0xba: {  	[sflag:s29] =	ssyncadd.s32 $0xFFFFFFFF  }
0xbb: {  	_ =	strace $0x90000048  }
0xbc: {  	_ =	sfence  }
0xbd: {  	s30 =	sld [smem:$0x0];
	_ =	sdelay $0x2  }
0xbe: {  	s31 =	sshll.u32 s1, $0xD;
	s1 =	sshrl.u32 s1, $0x2  }
0xbf: {  	s3 =	sand.u32 $0x4000, s31;
	s1 =	sadd.s32 s1, s30  }
0xc0: {  	s0 =	sor.u32 s3, s0;
	s1 =	sshll.u32 s1, $0x11  }
0xc1: {  	s0 =	sor.u32 s1, s0  }
0xc2: {  	s0 =	sadd.s32 $0x8F2B, s0  }
0xc3: {  	[sflag:s0] =	ssyncadd.remote.s32 $0x1  }
0xc4: {  	_ =	sfence.sel $0xFFFF  }
0xc5: {  	[dreg:$0x0] =	wrdreg $0xFFFFFFFF;
	(pc) =	sbr.abs _section_cstart, $3  }
0xc6: {  	[dreg:$0x1] =	wrdreg $0xFFFFFFFF  }
0xc7: {  	_ =	task.clear_ibuf [dreg:s7], $0x2FFFF;
	_ =	strace $0x9FFFFFFF  }
0xc8: {  	(tm) =	ssettm $0x7FFFFFFF  }
0xc9: {  	_ =	shalt  }
tec
execute0_lowered:
.L_overlay_start_1:
0x0: {  	(tag) =	ssettag $0x1  }
0x1: {  	s0 =	rddreg [dreg:$0x0]  }
0x2: {  	s1 =	rddreg [dreg:$0x1]  }
0x3: {  	s16 =	rddreg [dreg:$0x2]  }
0x4: {  	s2 =	simm.s32 $0x0;
	s3 =	srdreg.scid;
	s4 =	stileid.u32  }
0x5: {  	s19 =	simm.s32 $0x2880;
	s20 =	simm.s32 $0x3080;
	s21 =	simm.s32 $0x3880  }
0x6: {  	s28 =	simm.s32 $0x5880;
	s29 =	simm.s32 $0x6080;
	s31 =	simm.s32 $0x6880  }
0x7: {  	s17 =	simm.s32 $0x7080;
	[smem:$0x7FF] =	sst s2;
	s5 =	sadd.s32 $0x3C1200, s0  }
0x8: {  	p0 =	por $0x0, $0x0;
	s23 =	sadd.s32 $0x3C1300, s0;
	s24 =	sadd.s32 $0x3C1400, s0  }
0x9: {  	s30 =	simm.s32 $0x1;
	s10 =	sadd.s32 $0x3C1500, s0;
	s25 =	sadd.s32 $0x3C1600, s0  }
0xa: {  	s3 =	sand.u32 $0x1, s3;
	s8 =	sadd.s32 $0x3C1A00, s0;
	s9 =	sadd.s32 $0x3C1B00, s0  }
0xb: {  	s4 =	sshll.u32 s4, $0x1;
	s11 =	sadd.s32 $0x3C1D00, s0;
	s12 =	sadd.s32 $0x3C1E00, s0  }
0xc: {  	s13 =	sadd.s32 $0x3C1F00, s0;
	_ =	strace $0x80000047;
	[dreg:$0x3] =	wrdreg s5  }
0xd: {  	s4 =	sor.u32 s3, s4;
	s3 =	ssub.s32 $0x2, s3;
	[dreg:$0x5] =	wrdreg s23  }
0xe: {  	s14 =	sadd.s32 $0x3C2000, s0;
	[dreg:$0x6] =	wrdreg s24;
	s22 =	sshrl.u32 s3, $0x1  }
0xf: {  	s5 =	sadd.s32 $0x3C1800, s0;
	[dreg:$0x7] =	wrdreg s10;
	s15 =	ssub.s32 s3, s22  }
0x10: {  	s10 =	sadd.s32 $0x3C1C00, s0;
	[dreg:$0x8] =	wrdreg s25;
	s26 =	smax.u32 s15, $0x1  }
0x11: {  	s25 =	simm.s32 $0x880;
	s6 =	smul.u32 $0xF00, s4;
	p1 =	sne.s32 s26, $0x1  }
.Ltmp0:
0x12: {  	s24 =	simm.s32 $0x1080;
	s1 =	sadd.s32 s1, s4;
	(pc) =	sbr.rel @!p1 .LBB2_1-.Ltmp0, $4  }
0x13: {  	s23 =	simm.s32 $0x4880;
	s4 =	simm.s32 $0x2;
	[dreg:$0x4] =	wrdreg s1  }
0x14: {  	v0 =	vlaneseq.u32;
	s3 =	sadd.s32 $0x3C1700, s0;
	s22 =	simm.s32 $0x4080;
	s7 =	sadd.s32 s6, s0  }
0x15: {  	v1 =	vshrl.u32 v0, $0x3;
	s6 =	sadd.s32 $0x3C1900, s0;
	s15 =	simm.s32 $0x80;
	s1 =	rddreg [dreg:$0x4]  }
0x16: {  	vm0 =	vmmov $0xffff;
	v0 =	vand.u32 $0x7, v0;
	v1 =	vmul.u32 $0x8, v1;
	s7 =	sadd.s32 $0x3200, s7;
	s18 =	sadd.s32 $0xFFFFFFFF, s26;
	s26 =	simm.s32 $0x5080  }
0x17: {  	[tilespmem:s2], [sflag:$0x2] =	stream.linear.gather [hbm4b:s1+s2], $0x8, $0x38;
	[tilespmem:$0x7880] =	vst v63  }
0x18: {  	_ =	swait.ge [sflag:s4], $0x8  }
0x19: {  	[sflag:s4] =	ssyncset.done $0x0  }
0x1a: {  	[sflag:s4] =	ssyncadd.s32 $0xFFFFFFF8  }
0x1b: {  	v2 =	vld.msk [tilespmem:$0x0], $0xff;
	_ =	sdelay $0x4  }
0x1c: {  	v3 =	vshrl.u32 v2, $0x3  }
0x1d: {  	v3 =	vmul.u32 $0xF0, v3  }
0x1e: {  	v2 =	vand.u32 $0x7, v2  }
0x1f: {  	v2 =	vor.u32 v2, v3  }
0x20: {  	v2 =	vperm.xlane v2, v0;
	_ =	sdelay $0x1  }
0x21: {  	v2 =	vadd.s32 v1, v2;
	_ =	sdelay $0x3  }
0x22: {  	s16 =	rddreg [dreg:$0x3]  }
0x23: {  	[tilespmem:s15], [sflag:$0x1] =	stream.indirect_vreg.gather [hbm4b:s16+s2], $0x80, v2, vm0, $0xb8;
	[tilespmem:$0x7880] =	vst v63  }
0x24: {  	s0 =	rddreg [dreg:$0x5]  }
0x25: {  	[tilespmem:s25], [sflag:$0x1] =	stream.indirect_vreg.gather [hbm4b:s0+s2], $0x80, v2, vm0, $0xb8;
	[tilespmem:$0x7880] =	vst v63  }
0x26: {  	s16 =	rddreg [dreg:$0x6]  }
0x27: {  	[tilespmem:s24], [sflag:$0x1] =	stream.indirect_vreg.gather [hbm4b:s16+s2], $0x80, v2, vm0, $0xb8;
	[tilespmem:$0x7880] =	vst v63  }
0x28: {  	s0 =	rddreg [dreg:$0x7];
	s16 =	simm.s32 $0x1880  }
0x29: {  	[tilespmem:s16], [sflag:$0x1] =	stream.indirect_vreg.gather [hbm4b:s0+s2], $0x80, v2, vm0, $0xb8;
	[tilespmem:$0x7880] =	vst v63  }
0x2a: {  	s1 =	rddreg [dreg:$0x8];
	s16 =	simm.s32 $0x2080  }
0x2b: {  	[tilespmem:s16], [sflag:$0x1] =	stream.indirect_vreg.gather [hbm4b:s1+s2], $0x80, v2, vm0, $0xb8;
	[tilespmem:$0x7880] =	vst v63  }
0x2c: {  	_ = 	snop  }
0x2d: {  	[tilespmem:s19], [sflag:$0x1] =	stream.indirect_vreg.gather [hbm4b:s3+s2], $0x80, v2, vm0, $0xb8;
	[tilespmem:$0x7880] =	vst v63  }
0x2e: {  	_ = 	snop  }
0x2f: {  	[tilespmem:s20], [sflag:$0x1] =	stream.indirect_vreg.gather [hbm4b:s5+s2], $0x80, v2, vm0, $0xb8;
	[tilespmem:$0x7880] =	vst v63  }
0x30: {  	_ = 	snop  }
0x31: {  	[tilespmem:s21], [sflag:$0x1] =	stream.indirect_vreg.gather [hbm4b:s6+s2], $0x80, v2, vm0, $0xb8;
	[tilespmem:$0x7880] =	vst v63  }
0x32: {  	_ = 	snop  }
0x33: {  	[tilespmem:s22], [sflag:$0x1] =	stream.indirect_vreg.gather [hbm4b:s8+s2], $0x80, v2, vm0, $0xb8;
	[tilespmem:$0x7880] =	vst v63  }
0x34: {  	_ = 	snop  }
0x35: {  	[tilespmem:s23], [sflag:$0x1] =	stream.indirect_vreg.gather [hbm4b:s9+s2], $0x80, v2, vm0, $0xb8;
	[tilespmem:$0x7880] =	vst v63  }
0x36: {  	_ = 	snop  }
0x37: {  	[tilespmem:s26], [sflag:$0x1] =	stream.indirect_vreg.gather [hbm4b:s10+s2], $0x80, v2, vm0, $0xb8;
	[tilespmem:$0x7880] =	vst v63  }
0x38: {  	_ = 	snop  }
0x39: {  	[tilespmem:s28], [sflag:$0x1] =	stream.indirect_vreg.gather [hbm4b:s11+s2], $0x80, v2, vm0, $0xb8;
	[tilespmem:$0x7880] =	vst v63  }
0x3a: {  	_ = 	snop  }
0x3b: {  	[tilespmem:s29], [sflag:$0x1] =	stream.indirect_vreg.gather [hbm4b:s12+s2], $0x80, v2, vm0, $0xb8;
	[tilespmem:$0x7880] =	vst v63  }
0x3c: {  	_ = 	snop  }
0x3d: {  	[tilespmem:s31], [sflag:$0x1] =	stream.indirect_vreg.gather [hbm4b:s13+s2], $0x80, v2, vm0, $0xb8;
	[tilespmem:$0x7880] =	vst v63  }
0x3e: {  	_ = 	snop  }
0x3f: {  	[tilespmem:s17], [sflag:$0x1] =	stream.indirect_vreg.gather [hbm4b:s14+s2], $0x80, v2, vm0, $0xb8;
	[tilespmem:$0x7880] =	vst v63  }
0x40: {  	p1 =	sne.s32 s18, $0x1;
	_ =	swait.ge [sflag:s30], $0x7800  }
.Ltmp1:
0x41: {  	[sflag:s30] =	ssyncset.done $0x0;
	(pc) =	sbr.rel @!p1 .LBB2_7-.Ltmp1, $4  }
0x42: {  	[sflag:s30] =	ssyncadd.s32 $0xFFFF8800  }
0x43: {  	[hbm4b:s7+s2] =	stream.linear.scatter [tilespmem:s15], [sflag:$0x2], $0x7800, $0x38;
	[tilespmem:$0x7880] =	vst v63  }
0x44: {  	p0 =	por $0x1, $0x1;
	_ =	swait.ge [sflag:s4], $0x7800  }
0x45: {  	s0 =	sadd.s32 $0xFFFFFFFF, s18;
	s1 =	rddreg [dreg:$0x4];
	[sflag:s4] =	ssyncset.done $0x0  }
0x46: {  	s18 =	simm.s32 $0x1880  }
.LBB2_4:
0x47: {  	[sflag:s4] =	ssyncadd.s32 $0xFFFF8800  }
0x48: {  	[tilespmem:s2], [sflag:$0x2] =	stream.linear.gather [hbm4b:s1+s2], $0x8, $0x38;
	[tilespmem:$0x7880] =	vst v63  }
0x49: {  	_ =	swait.ge [sflag:s4], $0x8  }
0x4a: {  	[sflag:s4] =	ssyncset.done $0x0  }
0x4b: {  	[sflag:s4] =	ssyncadd.s32 $0xFFFFFFF8  }
0x4c: {  	v2 =	vld.msk [tilespmem:$0x0], $0xff;
	_ =	sdelay $0x4  }
0x4d: {  	v3 =	vshrl.u32 v2, $0x3  }
0x4e: {  	v3 =	vmul.u32 $0xF0, v3  }
0x4f: {  	v2 =	vand.u32 $0x7, v2  }
0x50: {  	v2 =	vor.u32 v2, v3  }
0x51: {  	v2 =	vperm.xlane v2, v0;
	_ =	sdelay $0x1  }
0x52: {  	v2 =	vadd.s32 v1, v2;
	_ =	sdelay $0x3  }
0x53: {  	s1 =	rddreg [dreg:$0x3]  }
0x54: {  	[tilespmem:s15], [sflag:$0x1] =	stream.indirect_vreg.gather [hbm4b:s1+s2], $0x80, v2, vm0, $0xb8;
	[tilespmem:$0x7880] =	vst v63  }
0x55: {  	s16 =	rddreg [dreg:$0x5]  }
0x56: {  	[tilespmem:s25], [sflag:$0x1] =	stream.indirect_vreg.gather [hbm4b:s16+s2], $0x80, v2, vm0, $0xb8;
	[tilespmem:$0x7880] =	vst v63  }
0x57: {  	s1 =	rddreg [dreg:$0x6]  }
0x58: {  	[tilespmem:s24], [sflag:$0x1] =	stream.indirect_vreg.gather [hbm4b:s1+s2], $0x80, v2, vm0, $0xb8;
	[tilespmem:$0x7880] =	vst v63  }
0x59: {  	s16 =	rddreg [dreg:$0x7]  }
0x5a: {  	[tilespmem:s18], [sflag:$0x1] =	stream.indirect_vreg.gather [hbm4b:s16+s2], $0x80, v2, vm0, $0xb8;
	[tilespmem:$0x7880] =	vst v63  }
0x5b: {  	s1 =	rddreg [dreg:$0x8];
	s16 =	simm.s32 $0x2080  }
0x5c: {  	[tilespmem:s16], [sflag:$0x1] =	stream.indirect_vreg.gather [hbm4b:s1+s2], $0x80, v2, vm0, $0xb8;
	[tilespmem:$0x7880] =	vst v63  }
0x5d: {  	_ = 	snop  }
0x5e: {  	[tilespmem:s19], [sflag:$0x1] =	stream.indirect_vreg.gather [hbm4b:s3+s2], $0x80, v2, vm0, $0xb8;
	[tilespmem:$0x7880] =	vst v63  }
0x5f: {  	_ = 	snop  }
0x60: {  	[tilespmem:s20], [sflag:$0x1] =	stream.indirect_vreg.gather [hbm4b:s5+s2], $0x80, v2, vm0, $0xb8;
	[tilespmem:$0x7880] =	vst v63  }
0x61: {  	_ = 	snop  }
0x62: {  	[tilespmem:s21], [sflag:$0x1] =	stream.indirect_vreg.gather [hbm4b:s6+s2], $0x80, v2, vm0, $0xb8;
	[tilespmem:$0x7880] =	vst v63  }
0x63: {  	_ = 	snop  }
0x64: {  	[tilespmem:s22], [sflag:$0x1] =	stream.indirect_vreg.gather [hbm4b:s8+s2], $0x80, v2, vm0, $0xb8;
	[tilespmem:$0x7880] =	vst v63  }
0x65: {  	_ = 	snop  }
0x66: {  	[tilespmem:s23], [sflag:$0x1] =	stream.indirect_vreg.gather [hbm4b:s9+s2], $0x80, v2, vm0, $0xb8;
	[tilespmem:$0x7880] =	vst v63  }
0x67: {  	_ = 	snop  }
0x68: {  	[tilespmem:s26], [sflag:$0x1] =	stream.indirect_vreg.gather [hbm4b:s10+s2], $0x80, v2, vm0, $0xb8;
	[tilespmem:$0x7880] =	vst v63  }
0x69: {  	_ = 	snop  }
0x6a: {  	[tilespmem:s28], [sflag:$0x1] =	stream.indirect_vreg.gather [hbm4b:s11+s2], $0x80, v2, vm0, $0xb8;
	[tilespmem:$0x7880] =	vst v63  }
0x6b: {  	_ = 	snop  }
0x6c: {  	[tilespmem:s29], [sflag:$0x1] =	stream.indirect_vreg.gather [hbm4b:s12+s2], $0x80, v2, vm0, $0xb8;
	[tilespmem:$0x7880] =	vst v63  }
0x6d: {  	_ = 	snop  }
0x6e: {  	[tilespmem:s31], [sflag:$0x1] =	stream.indirect_vreg.gather [hbm4b:s13+s2], $0x80, v2, vm0, $0xb8;
	[tilespmem:$0x7880] =	vst v63  }
0x6f: {  	_ = 	snop  }
0x70: {  	[tilespmem:s17], [sflag:$0x1] =	stream.indirect_vreg.gather [hbm4b:s14+s2], $0x80, v2, vm0, $0xb8;
	[tilespmem:$0x7880] =	vst v63  }
0x71: {  	p1 =	sne.s32 s0, $0x1;
	_ =	swait.ge [sflag:s30], $0x7800  }
.Ltmp2:
0x72: {  	[sflag:s30] =	ssyncset.done $0x0;
	(pc) =	sbr.rel @p1 .LBB2_4-.Ltmp2, $4  }
0x73: {  	[sflag:s30] =	ssyncadd.s32 $0xFFFF8800  }
0x74: {  	[hbm4b:s7+s2] =	stream.linear.scatter [tilespmem:s15], [sflag:$0x2], $0x7800, $0x38;
	[tilespmem:$0x7880] =	vst v63  }
0x75: {  	_ =	swait.ge [sflag:s4], $0x7800  }
0x76: {  	s0 =	sadd.s32 $0xFFFFFFFF, s0;
	s1 =	rddreg [dreg:$0x4];
	[sflag:s4] =	ssyncset.done $0x0  }
0x77: {  	s31 =	simm.s32 $0x6880;
	s29 =	simm.s32 $0x6080  }
0x78: {  	s28 =	simm.s32 $0x5880;
	s26 =	simm.s32 $0x5080;
	s25 =	simm.s32 $0x880  }
0x79: {  	s24 =	simm.s32 $0x1080;
	s23 =	simm.s32 $0x4880;
	s22 =	simm.s32 $0x4080  }
0x7a: {  	s21 =	simm.s32 $0x3880;
	s20 =	simm.s32 $0x3080;
	s19 =	simm.s32 $0x2880  }
0x7b: {  	s18 =	simm.s32 $0x2080;
	s17 =	simm.s32 $0x1880;
	s16 =	rddreg [dreg:$0x2]  }
.LBB2_6:
0x7c: {  	[sflag:s4] =	ssyncadd.s32 @p0 $0xFFFF8800  }
0x7d: {  	[tilespmem:s2], [sflag:$0x2] =	stream.linear.gather [hbm4b:s1+s2], $0x8, $0x38;
	[tilespmem:$0x7880] =	vst v63  }
0x7e: {  	_ =	swait.ge [sflag:s4], $0x8  }
0x7f: {  	[sflag:s4] =	ssyncset.done $0x0  }
0x80: {  	[sflag:s4] =	ssyncadd.s32 $0xFFFFFFF8  }
0x81: {  	v2 =	vld.msk [tilespmem:$0x0], $0xff;
	_ =	sdelay $0x4  }
0x82: {  	v3 =	vshrl.u32 v2, $0x3  }
0x83: {  	v3 =	vmul.u32 $0xF0, v3  }
0x84: {  	v2 =	vand.u32 $0x7, v2  }
0x85: {  	v2 =	vor.u32 v2, v3  }
0x86: {  	v0 =	vperm.xlane v2, v0;
	_ =	sdelay $0x1  }
0x87: {  	v0 =	vadd.s32 v1, v0;
	_ =	sdelay $0x3  }
0x88: {  	s0 =	rddreg [dreg:$0x3]  }
0x89: {  	[tilespmem:s15], [sflag:$0x1] =	stream.indirect_vreg.gather [hbm4b:s0+s2], $0x80, v0, vm0, $0xb8;
	[tilespmem:$0x7880] =	vst v63  }
0x8a: {  	s1 =	rddreg [dreg:$0x5]  }
0x8b: {  	[tilespmem:s25], [sflag:$0x1] =	stream.indirect_vreg.gather [hbm4b:s1+s2], $0x80, v0, vm0, $0xb8;
	[tilespmem:$0x7880] =	vst v63  }
0x8c: {  	s0 =	rddreg [dreg:$0x6]  }
0x8d: {  	[tilespmem:s24], [sflag:$0x1] =	stream.indirect_vreg.gather [hbm4b:s0+s2], $0x80, v0, vm0, $0xb8;
	[tilespmem:$0x7880] =	vst v63  }
0x8e: {  	s1 =	rddreg [dreg:$0x7]  }
0x8f: {  	[tilespmem:s17], [sflag:$0x1] =	stream.indirect_vreg.gather [hbm4b:s1+s2], $0x80, v0, vm0, $0xb8;
	[tilespmem:$0x7880] =	vst v63  }
0x90: {  	s25 =	rddreg [dreg:$0x8]  }
0x91: {  	[tilespmem:s18], [sflag:$0x1] =	stream.indirect_vreg.gather [hbm4b:s25+s2], $0x80, v0, vm0, $0xb8;
	[tilespmem:$0x7880] =	vst v63  }
0x92: {  	_ = 	snop  }
0x93: {  	[tilespmem:s19], [sflag:$0x1] =	stream.indirect_vreg.gather [hbm4b:s3+s2], $0x80, v0, vm0, $0xb8;
	[tilespmem:$0x7880] =	vst v63  }
0x94: {  	_ = 	snop  }
0x95: {  	[tilespmem:s20], [sflag:$0x1] =	stream.indirect_vreg.gather [hbm4b:s5+s2], $0x80, v0, vm0, $0xb8;
	[tilespmem:$0x7880] =	vst v63  }
0x96: {  	_ = 	snop  }
0x97: {  	[tilespmem:s21], [sflag:$0x1] =	stream.indirect_vreg.gather [hbm4b:s6+s2], $0x80, v0, vm0, $0xb8;
	[tilespmem:$0x7880] =	vst v63  }
0x98: {  	_ = 	snop  }
0x99: {  	[tilespmem:s22], [sflag:$0x1] =	stream.indirect_vreg.gather [hbm4b:s8+s2], $0x80, v0, vm0, $0xb8;
	[tilespmem:$0x7880] =	vst v63  }
0x9a: {  	_ = 	snop  }
0x9b: {  	[tilespmem:s23], [sflag:$0x1] =	stream.indirect_vreg.gather [hbm4b:s9+s2], $0x80, v0, vm0, $0xb8;
	[tilespmem:$0x7880] =	vst v63  }
0x9c: {  	_ = 	snop  }
0x9d: {  	[tilespmem:s26], [sflag:$0x1] =	stream.indirect_vreg.gather [hbm4b:s10+s2], $0x80, v0, vm0, $0xb8;
	[tilespmem:$0x7880] =	vst v63  }
0x9e: {  	_ = 	snop  }
0x9f: {  	[tilespmem:s28], [sflag:$0x1] =	stream.indirect_vreg.gather [hbm4b:s11+s2], $0x80, v0, vm0, $0xb8;
	[tilespmem:$0x7880] =	vst v63  }
0xa0: {  	_ = 	snop  }
0xa1: {  	[tilespmem:s29], [sflag:$0x1] =	stream.indirect_vreg.gather [hbm4b:s12+s2], $0x80, v0, vm0, $0xb8;
	[tilespmem:$0x7880] =	vst v63  }
0xa2: {  	_ = 	snop  }
0xa3: {  	[tilespmem:s31], [sflag:$0x1] =	stream.indirect_vreg.gather [hbm4b:s13+s2], $0x80, v0, vm0, $0xb8;
	[tilespmem:$0x7880] =	vst v63  }
0xa4: {  	s29 =	simm.s32 $0x7080  }
0xa5: {  	[tilespmem:s29], [sflag:$0x1] =	stream.indirect_vreg.gather [hbm4b:s14+s2], $0x80, v0, vm0, $0xb8;
	[tilespmem:$0x7880] =	vst v63  }
0xa6: {  	_ =	swait.ge [sflag:s30], $0x7800  }
0xa7: {  	[sflag:s30] =	ssyncset.done $0x0  }
0xa8: {  	[sflag:s30] =	ssyncadd.s32 $0xFFFF8800  }
0xa9: {  	[hbm4b:s7+s2] =	stream.linear.scatter [tilespmem:s15], [sflag:$0x2], $0x7800, $0x38;
	[tilespmem:$0x7880] =	vst v63  }
0xaa: {  	_ =	swait.ge [sflag:s4], $0x7800  }
0xab: {  	[sflag:s4] =	ssyncset.done $0x0  }
0xac: {  	[sflag:s4] =	ssyncadd.s32 $0xFFFF8800  }
0xad: {  	_ =	sfence.sel $0x180000  }
0xae: {  	s31 =	stileid.u32;
	[bflag:$0x0] =	sbarrier.arrive $0xFFFF  }
0xaf: {  	p0 =	sne.s32 s31, $0x0;
	_ =	strace $0x90000047  }
0xb0: {  	s0 =	sadd.s32 @!p0 $0x100000, s16;
	[bflag:$0x2] =	sbarrier.arrive $0xFFFF  }
0xb1: {  	[sflag:s0] =	ssyncadd.tile.s32 @!p0 $0x1;
	_ =	shalt  }
.LBB2_1:
.Ltmp3:
0xb2: {  	s31 =	simm.s32 $0x6880;
	(pc) =	sbr.rel .LBB2_6-.Ltmp3, $4  }
0xb3: {  	s29 =	simm.s32 $0x6080;
	s28 =	simm.s32 $0x5880;
	s26 =	simm.s32 $0x5080  }
0xb4: {  	s25 =	simm.s32 $0x880;
	s24 =	simm.s32 $0x1080;
	s23 =	simm.s32 $0x4880  }
0xb5: {  	s22 =	simm.s32 $0x4080;
	s21 =	simm.s32 $0x3880;
	s20 =	simm.s32 $0x3080  }
0xb6: {  	s19 =	simm.s32 $0x2880;
	s18 =	simm.s32 $0x2080;
	s17 =	simm.s32 $0x1880  }
.LBB2_7:
.Ltmp4:
0xb7: {  	s31 =	simm.s32 $0x6880;
	s29 =	simm.s32 $0x6080;
	(pc) =	sbr.rel .LBB2_6-.Ltmp4, $4  }
0xb8: {  	s28 =	simm.s32 $0x5880;
	s26 =	simm.s32 $0x5080;
	s25 =	simm.s32 $0x880  }
0xb9: {  	s24 =	simm.s32 $0x1080;
	s23 =	simm.s32 $0x4880;
	s22 =	simm.s32 $0x4080  }
0xba: {  	s21 =	simm.s32 $0x3880;
	s20 =	simm.s32 $0x3080;
	s19 =	simm.s32 $0x2880  }
0xbb: {  	s18 =	simm.s32 $0x2080;
	s17 =	simm.s32 $0x1880;
	s16 =	rddreg [dreg:$0x2]  }
.Lfunc_end2:
_tile_overlayer_lowered:
.L_overlay_start_2:
0xbc: {  	(tag) =	ssettag $0x2  }
0xbd: {  	s0 =	rddreg [dreg:$0x0];
	s2 =	stileid.u32  }
0xbe: {  	s1 =	rddreg [dreg:$0x1];
	p0 =	sne.s32 s2, $0x0  }
0xbf: {  	s3 =	rddreg [dreg:$0x2];
	[bflag:$0x3] =	sbarrier.arrive $0xFFFF;
	s2 =	simm.s32 @!p0 $0x1C02  }
0xc0: {  	[timem:s3], [sflag:s2] =	dma.local @!p0 [hbm:s0], s1  }
0xc1: {  	s0 =	simm.s32 @!p0 $0x2  }
0xc2: {  	_ =	swait.ge @!p0 [sflag:s0], s1  }
0xc3: {  	s1 =	ssub.s32 @!p0 $0x0, s1;
	[sflag:s0] =	ssyncset.done @!p0 $0x0  }
0xc4: {  	[sflag:s0] =	ssyncadd.s32 @!p0 s1  }
0xc5: {  	[bflag:$0x3] =	sbarrier.arrive $0xFFFF  }
0xc6: {  	_ =	shalt  }

// kernel: sparse-core-data-format-call.cloned.1.call-start
scs
called_computation_lowered:
.L_overlay_start_0:
0x0: {  	s2 =	sld [smem:$0x3FD9]  }
0x1: {  	s3 =	sld [smem:$0x3FFE];
	_ =	sdelay $0x1  }
0x2: {  	s1 =	srdreg.scid  }
0x3: {  	s0 =	sand.u32 $0x1, s1  }
0x4: {  	s15 =	sshll.u32 s0, $0xA;
	s2 =	sadd.s32 s3, s2  }
0x5: {  	s2 =	sadd.s32 s2, s15  }
0x6: {  	[smem:$0x3FC5] =	sst s2  }
0x7: {  	_ = 	snop  }
0x8: {  	s2 =	sld [smem:$0x3FD0];
	_ =	sdelay $0x2  }
0x9: {  	s16 =	simm.s32 $0xA;
	s4 =	simm.s32 $0x10  }
0xa: {  	[smem:s4], [sflag:s16] =	dma.local [hbm:s2], $0x1  }
0xb: {  	_ =	swait.eq [sflag:s16], $0x1  }
0xc: {  	[sflag:s16] =	ssyncset.done $0x0  }
0xd: {  	[sflag:s16] =	ssyncadd.s32 $0xFFFFFFFF  }
0xe: {  	s17 =	sld [smem:$0x14];
	(tm) =	ssettm $0x1  }
0xf: {  	s18 =	sld [smem:$0x3FFB];
	_ =	sdelay $0x3  }
0x10: {  	_ =	strace s18  }
0x11: {  	s3 =	sld [smem:$0x3FFC];
	_ =	sdelay $0x3  }
0x12: {  	_ =	strace s3  }
0x13: {  	s3 =	sld [smem:$0x3FFD];
	_ =	sdelay $0x3  }
0x14: {  	_ =	strace s3  }
0x15: {  	_ =	strace $0x8FFFFFFF  }
0x16: {  	s19 =	sld [smem:$0x3FDB];
	_ =	sdelay $0x1  }
0x17: {  	s20 =	simm.s32 $_scs_section_size  }
0x18: {  	s5 =	simm.s32 $_size__tile_overlayer_lowered;
	s6 =	simm.s32 $_tile_overlayer_lowered  }
0x19: {  	s23 =	simm.s32 $0x1BFF;
	s22 =	sshll.u32 s6, $0x1;
	s3 =	sadd.s32 s20, s19  }
0x1a: {  	s7 =	simm.s32 $0x0;
	s21 =	sshll.u32 s5, $0x1;
	s5 =	sadd.s32 s22, s3  }
0x1b: {  	[timem:s7], [sflag:s23] =	dma.local [hbm:s5], s21  }
0x1c: {  	_ =	swait.ge [sflag:s23], s21  }
0x1d: {  	s4 =	ssub.s32 $0x0, s21;
	[sflag:s23] =	ssyncset.done $0x0  }
0x1e: {  	[sflag:s23] =	ssyncadd.s32 s4;
	_ =	sdelay $0x1  }
0x1f: {  	s24 =	simm.s32 $0x1B8B  }
0x20: {  	_ =	swait.ge [sflag:s24], $0x1  }
0x21: {  	[sflag:s24] =	ssyncset.done $0x0  }
0x22: {  	s26 =	simm.s32 $0x1B8E;
	s25 =	sld [smem:$0x3FFE];
	[sflag:s24] =	ssyncadd.s32 $0xFFFFFFFF  }
0x23: {  	s27 =	simm.s32 $execute0_lowered;
	[smem:$0x3FD2] =	sst s26  }
0x24: {  	s5 =	sshll.u32 s27, $0x1;
	_ =	strace $0x80000049;
	[dreg:$0x1] =	wrdreg $0xFFFFFFFF  }
0x25: {  	s28 =	simm.s32 $_size_execute0_lowered;
	s3 =	sadd.s32 s3, s5;
	[dreg:$0x0] =	wrdreg $0x0  }
0x26: {  	s5 =	sshll.u32 s28, $0x1;
	[dreg:$0x2] =	wrdreg s3  }
0x27: {  	[dreg:$0x3] =	wrdreg s5  }
0x28: {  	[dreg:$0x4] =	wrdreg $0xC0  }
0x29: {  	_ =	task [dreg:s7], $0x5FFFF  }
0x2a: {  	[dreg:$0x1] =	wrdreg $0xFFFFFFFF  }
0x2b: {  	[dreg:$0x0] =	wrdreg $0x60  }
0x2c: {  	[dreg:$0x2] =	wrdreg s25  }
0x2d: {  	[dreg:$0x3] =	wrdreg s17  }
0x2e: {  	[dreg:$0x4] =	wrdreg $0x9  }
0x2f: {  	_ =	task.clear_ibuf [dreg:s7], $0x5FFFF;
	_ =	strace $0x90000049  }
0x30: {  	s29 =	simm.s32 $0x9;
	_ =	strace $0x8000004B  }
0x31: {  	_ =	swait.ge [sflag:s29], $0x1  }
0x32: {  	[sflag:s29] =	ssyncadd.s32 $0xFFFFFFFF  }
0x33: {  	_ =	strace $0x9000004B  }
0x34: {  	_ =	sfence  }
0x35: {  	s30 =	sld [smem:$0x0];
	_ =	sdelay $0x2  }
0x36: {  	s31 =	sshll.u32 s1, $0xD;
	s1 =	sshrl.u32 s1, $0x2  }
0x37: {  	s3 =	sand.u32 $0x4000, s31;
	s1 =	sadd.s32 s1, s30  }
0x38: {  	s0 =	sor.u32 s3, s0;
	s1 =	sshll.u32 s1, $0x11  }
0x39: {  	s0 =	sor.u32 s1, s0  }
0x3a: {  	s0 =	sadd.s32 $0x8F2B, s0  }
0x3b: {  	[sflag:s0] =	ssyncadd.remote.s32 $0x1  }
0x3c: {  	_ =	sfence.sel $0xFFFF  }
0x3d: {  	[dreg:$0x0] =	wrdreg $0xFFFFFFFF;
	(pc) =	sbr.abs _section_cstart, $3  }
0x3e: {  	[dreg:$0x1] =	wrdreg $0xFFFFFFFF  }
0x3f: {  	_ =	task.clear_ibuf [dreg:s7], $0x2FFFF;
	_ =	strace $0x9FFFFFFF  }
0x40: {  	(tm) =	ssettm $0x7FFFFFFF  }
0x41: {  	_ =	shalt  }
tec
execute0_lowered:
.L_overlay_start_1:
0x0: {  	(tag) =	ssettag $0x1  }
0x1: {  	s0 =	srdreg.scid  }
0x2: {  	s0 =	sshll.u32 s0, $0x7  }
0x3: {  	s1 =	sand.u32 $0x80, s0  }
0x4: {  	s6 =	rddreg [dreg:$0x0];
	s7 =	simm.s32 $0x2;
	s2 =	ssub.s32 $0x100, s1  }
0x5: {  	s15 =	simm.s32 $0x0;
	s0 =	stileid.u32;
	s3 =	sshrl.u32 s2, $0x7  }
0x6: {  	s4 =	ssub.s32 $0xD8, s0;
	s2 =	sshrl.u32 s2, $0x8;
	s5 =	sand.u32 $0x1, s3  }
0x7: {  	p0 =	por $0x0, $0x0;
	s4 =	sshrl.u32 s4, $0x4;
	s5 =	sadd.s32 s2, s5  }
0x8: {  	s9 =	simm.s32 $0x1800;
	s14 =	simm.s32 $0x0;
	s5 =	smul.u32 s5, s4  }
.Ltmp0:
0x9: {  	s13 =	simm.s32 $0x0;
	s3 =	rddreg [dreg:$0x1];
	(pc) =	sbr.rel .LBB1_1-.Ltmp0, $4  }
0xa: {  	s10 =	simm.s32 $0x0;
	s11 =	stileid.u32;
	s2 =	rddreg [dreg:$0x2]  }
0xb: {  	_ =	strace $0x8000004A;
	s4 =	simm.s32 $0x1;
	s5 =	smul.u32 $0x6, s5  }
0xc: {  	s12 =	simm.s32 $0x0;
	s6 =	sadd.s32 $0x3200, s6;
	[sflag:s4] =	ssyncpa.u1 $0x0  }
0xd: {  	[sflag:s7] =	ssyncpa.u1 $0x0;
	s7 =	sshll.u32 s1, $0x3;
	s8 =	sor.u32 $0x1, s5  }
.LBB1_4:
0xe: {  	s15 =	sshrl.u32 s15, $0x3  }
0xf: {  	s21 =	sshll.u32 s14, $0x3;
	s15 =	smul.u32 $0x1800, s15  }
0x10: {  	v5 =	vld [tilespmem:s19+$0xFFFFFFD0];
	[tilespmem:s18+$0x2040 ss:$0x81] =	vst.msk $0xffff, v4;
	s21 =	sand.u32 $0xFFFFFC00, s21  }
0x11: {  	v58 =	vld [tilespmem:s19+$0xFFFFFFE0];
	[tilespmem:s18+$0x2850 ss:$0x81] =	vst.msk $0xffff, v3;
	s28 =	sand.u32 $0x7F, s14;
	s15 =	sadd.s32 s21, s15  }
0x12: {  	s20 =	sshra.s32 s20, $0x2;
	v59 =	vld [tilespmem:s19+$0xFFFFFFF0];
	[tilespmem:s18+$0x3060 ss:$0x81] =	vst.msk $0xffff, v2;
	s14 =	sor.u32 s28, s15  }
0x13: {  	v60 =	vld [tilespmem:s19+$0x0];
	[tilespmem:s18+$0x0 ss:$0x81] =	vst.msk $0xffff, v0;
	s17 =	sadd.s32 s20, s17;
	s29 =	smulhi.u32 $0xAAAAAAAB, s14  }
0x14: {  	v61 =	vld [tilespmem:s19+$0x10];
	[tilespmem:s17+$0x3870 ss:$0x81] =	vst.msk $0xffff, v1;
	s15 =	smulhi.u32 $0xAAAAAAAB, s15  }
0x15: {  	v62 =	vld [tilespmem:s19+$0x20];
	[tilespmem:s17+$0x810 ss:$0x81] =	vst.msk $0xffff, v5;
	s18 =	sshrl.u32 s29, $0x9  }
0x16: {  	v63 =	vld [tilespmem:s19+$0xFFFFFFC0];
	[tilespmem:s17+$0x1020 ss:$0x81] =	vst.msk $0xffff, v58;
	s15 =	sshrl.u32 s15, $0x9;
	s18 =	smul.u32 $0x300, s18  }
0x17: {  	s13 =	smul.u32 $0x6000, s13;
	[tilespmem:s17+$0x1830 ss:$0x81] =	vst.msk $0xffff, v59;
	s15 =	sand.u32 $0xFF, s15  }
0x18: {  	[tilespmem:s17+$0x2040 ss:$0x81] =	vst.msk $0xffff, v60;
	s15 =	smul.u32 $0x60, s15;
	s14 =	ssub.s32 s14, s18  }
0x19: {  	s13 =	sadd.s32 s3, s13;
	[tilespmem:s17+$0x2850 ss:$0x81] =	vst.msk $0xffff, v61;
	s18 =	sand.u32 $0x7, s14  }
0x1a: {  	[tilespmem:s17+$0x3060 ss:$0x81] =	vst.msk $0xffff, v62;
	s13 =	sadd.s32 s15, s13;
	s14 =	sshrl.u32 s14, $0x3;
	s30 =	sshll.u32 s18, $0x12  }
0x1b: {  	[tilespmem:s17+$0x0 ss:$0x81] =	vst.msk $0xffff, v63;
	s13 =	sadd.s32 s14, s13;
	s31 =	sor.u32 $0x400, s30  }
0x1c: {  	[hbm4b:s13+s31] =	stream.strided.scatter [tilespmem:s16], [sflag:$0x2], $0x4000, s9, s31, $0x20;
	[tilespmem:$0x10100] =	vst v63  }
.LBB1_5:
0x1d: {  	s16 =	sadd.s32 $0x80, s10  }
0x1e: {  	s13 =	sadd.s32 $0x10, s11;
	s17 =	smov.u32 s11;
	p2 =	sgt.s32 s16, $0x2FF  }
0x1f: {  	s17 =	smov.u32 @p2 s13  }
0x20: {  	s16 =	simm.s32 @p2 $0x0;
	p2 =	sgt.s32 s17, $0xC8  }
0x21: {  	s17 =	smov.u32 @p2 s0;
	p2 =	sne.s32 s12, s8  }
.Ltmp1:
0x22: {  	p1 =	slt.u32 s12, $0x2;
	(pc) =	sbr.rel @!p2 .LBB1_6-.Ltmp1, $4  }
0x23: {  	s14 =	smov.u32 s10;
	s15 =	simm.s32 @!p1 $0x2  }
0x24: {  	p0 =	por !p0, !p0;
	_ =	swait.ge @!p1 [sflag:s15], $0x4000;
	s13 =	smov.u32 s11  }
0x25: {  	[sflag:s15] =	ssyncset.done @!p1 $0x0;
	s10 =	smov.u32 s16;
	s12 =	sadd.s32 $0x1, s12  }
0x26: {  	[sflag:s15] =	ssyncadd.s32 @!p1 $0xFFFFC000;
	s15 =	smov.u32 s1;
	s11 =	smov.u32 s17  }
.LBB1_1:
0x27: {  	p1 =	sge.u32 s12, s5  }
0x28: {  	s16 =	sshll.u32 @!p1 s10, $0x8  }
0x29: {  	s17 =	sshll.u32 @!p1 s10, $0x7;
	s16 =	sand.u32 @!p1 $0xFFFFF800, s16  }
0x2a: {  	s17 =	sand.u32 @!p1 $0x300, s17;
	s16 =	sor.u32 @!p1 s7, s16  }
0x2b: {  	s16 =	sor.u32 @!p1 s17, s16  }
0x2c: {  	s16 =	sshrl.u32 @!p1 s16, $0x8  }
0x2d: {  	s17 =	smulhi.u32 @!p1 $0xAAAAAB, s16;
	_ =	sdelay $0x1  }
0x2e: {  	s17 =	sshrl.u32 @!p1 s17, $0x1  }
0x2f: {  	s17 =	smul.u32 @!p1 $0x300, s17  }
0x30: {  	s31 =	sadd.s32 $0xFFFFFFFF, s12;
	s18 =	smul.u32 @!p1 $0x6000, s11  }
0x31: {  	s19 =	sxor.u32 @!p1 $0xFFFFFFFF, s12;
	s16 =	ssub.s32 @!p1 s16, s17;
	s17 =	sshll.u32 @!p1 s10, $0x4  }
0x32: {  	s19 =	sshll.u32 @!p1 s19, $0xE;
	s18 =	sadd.s32 @!p1 s6, s18;
	s17 =	sand.u32 @!p1 $0x10, s17  }
0x33: {  	s19 =	sand.u32 @!p1 $0x4000, s19;
	s16 =	sshll.u32 @!p1 s16, $0x5;
	s17 =	sadd.s32 @!p1 s17, s18  }
0x34: {  	s18 =	simm.s32 @!p1 $0x800;
	s16 =	sadd.s32 @!p1 s16, s17;
	s17 =	simm.s32 @!p1 $0x400  }
0x35: {  	[tilespmem:s19], [sflag:$0x1] =	stream.strided.gather @!p1 [hbm4b:s16+s17], $0x4000, s18, s17, $0x38;
	[tilespmem:$0x10100] =	vst v63  }
0x36: {  	p1 =	sge.u32 s31, s5  }
.Ltmp2:
0x37: {  	_ = 	snop;
	(pc) =	sbr.rel @p1 .LBB1_5-.Ltmp2, $1  }
0x38: {  	_ =	sdelay $0x3  }
0x39: {  	s16 =	simm.s32 $0x1  }
0x3a: {  	_ =	swait.ge [sflag:s4], $0x4000;
	s16 =	simm.s32 @!p0 $0x0  }
0x3b: {  	[sflag:s4] =	ssyncset.done $0x0;
	s17 =	sshll.u32 s16, $0xE  }
0x3c: {  	[sflag:s4] =	ssyncadd.s32 $0xFFFFC000;
	s19 =	sor.u32 $0x40, s17  }
0x3d: {  	s16 =	smul.u32 $0x10200, s16;
	v0 =	vld [tilespmem:s19+$0x30]  }
0x3e: {  	v1 =	vld [tilespmem:s19+$0xFFFFFFD0]  }
0x3f: {  	s16 =	sshrl.u32 s16, $0x2;
	v5 =	vld [tilespmem:s19+$0xFFFFFFE0]  }
0x40: {  	v6 =	vld [tilespmem:s19+$0xFFFFFFF0];
	s17 =	sor.u32 $0x8000, s16  }
0x41: {  	s31 =	sand.u32 $0x1, s12;
	v4 =	vld [tilespmem:s19+$0x0];
	s18 =	sadd.s32 $0x0, s17  }
0x42: {  	v3 =	vld [tilespmem:s19+$0x10];
	s16 =	smul.u32 $0x10200, s31;
	[tilespmem:s18+$0x3870 ss:$0x81] =	vst.msk $0xffff, v0  }
0x43: {  	v2 =	vld [tilespmem:s19+$0x20];
	[tilespmem:s18+$0x810 ss:$0x81] =	vst.msk $0xffff, v1  }
0x44: {  	s16 =	sshrl.u32 s16, $0x2;
	v0 =	vld [tilespmem:s19+$0xFFFFFFC0];
	[tilespmem:s18+$0x1020 ss:$0x81] =	vst.msk $0xffff, v5;
	s19 =	sadd.s32 $0x80, s19  }
0x45: {  	s20 =	simm.s32 $0x4;
	s21 =	simm.s32 $0x8;
	s16 =	sor.u32 $0x8000, s16;
	[tilespmem:s18+$0x1830 ss:$0x81] =	vst.msk $0xffff, v6;
	v1 =	vld [tilespmem:s19+$0x30]  }
.LBB1_3:
0x46: {  	p1 =	sne.s32 s21, $0x1FC;
	v5 =	vld [tilespmem:s19+$0xFFFFFFD0];
	[tilespmem:s18+$0x2040 ss:$0x81] =	vst.msk $0xffff, v4  }
0x47: {  	v6 =	vld [tilespmem:s19+$0xFFFFFFE0];
	[tilespmem:s18+$0x2850 ss:$0x81] =	vst.msk $0xffff, v3  }
0x48: {  	s22 =	sshra.s32 s20, $0x2;
	s20 =	smov.u32 s21;
	v7 =	vld [tilespmem:s19+$0xFFFFFFF0];
	[tilespmem:s18+$0x3060 ss:$0x81] =	vst.msk $0xffff, v2  }
.Ltmp3:
0x49: {  	v4 =	vld [tilespmem:s19+$0x0];
	[tilespmem:s18+$0x0 ss:$0x81] =	vst.msk $0xffff, v0;
	s18 =	sadd.s32 s22, s17;
	(pc) =	sbr.rel @p1 .LBB1_3-.Ltmp3, $4  }
0x4a: {  	v3 =	vld [tilespmem:s19+$0x10];
	[tilespmem:s18+$0x3870 ss:$0x81] =	vst.msk $0xffff, v1  }
0x4b: {  	[tilespmem:s18+$0x810 ss:$0x81] =	vst.msk $0xffff, v5;
	v2 =	vld [tilespmem:s19+$0x20]  }
0x4c: {  	v0 =	vld [tilespmem:s19+$0xFFFFFFC0];
	[tilespmem:s18+$0x1020 ss:$0x81] =	vst.msk $0xffff, v6;
	s19 =	sadd.s32 $0x80, s19  }
0x4d: {  	s21 =	sadd.s32 $0x4, s21;
	v1 =	vld [tilespmem:s19+$0x30];
	[tilespmem:s18+$0x1830 ss:$0x81] =	vst.msk $0xffff, v7  }
.Ltmp4:
0x4e: {  	_ = 	snop;
	(pc) =	sbr.rel .LBB1_4-.Ltmp4, $1  }
0x4f: {  	_ =	sdelay $0x3  }
.LBB1_6:
0x50: {  	_ =	sfence.sel $0x180000  }
0x51: {  	s1 =	simm.s32 $0x1;
	[bflag:$0x0] =	sbarrier.arrive $0xFFFF  }
0x52: {  	s31 =	simm.s32 $0x2;
	[sflag:s1] =	ssyncpa.u1 $0x1  }
0x53: {  	[sflag:s31] =	ssyncpa.u1 $0x1  }
0x54: {  	p0 =	sne.s32 s0, $0x0;
	_ =	strace $0x9000004A  }
0x55: {  	s0 =	sadd.s32 @!p0 $0x100000, s2;
	[bflag:$0x2] =	sbarrier.arrive $0xFFFF  }
0x56: {  	[sflag:s0] =	ssyncadd.tile.s32 @!p0 $0x1;
	_ =	shalt  }
.Lfunc_end1:
_tile_overlayer_lowered:
.L_overlay_start_2:
0x57: {  	(tag) =	ssettag $0x2  }
0x58: {  	s0 =	rddreg [dreg:$0x0];
	s2 =	stileid.u32  }
0x59: {  	s1 =	rddreg [dreg:$0x1];
	p0 =	sne.s32 s2, $0x0  }
0x5a: {  	s3 =	rddreg [dreg:$0x2];
	[bflag:$0x3] =	sbarrier.arrive $0xFFFF;
	s2 =	simm.s32 @!p0 $0x1C01  }
0x5b: {  	[timem:s3], [sflag:s2] =	dma.local @!p0 [hbm:s0], s1  }
0x5c: {  	s0 =	simm.s32 @!p0 $0x1  }
0x5d: {  	_ =	swait.ge @!p0 [sflag:s0], s1  }
0x5e: {  	s1 =	ssub.s32 @!p0 $0x0, s1;
	[sflag:s0] =	ssyncset.done @!p0 $0x0  }
0x5f: {  	[sflag:s0] =	ssyncadd.s32 @!p0 s1  }
0x60: {  	[bflag:$0x3] =	sbarrier.arrive $0xFFFF  }
0x61: {  	_ =	shalt  }

</sc_bundles>
